<compile_context>
chip_gen: v7x
topology: tpu7x:2x2x1
jax: 0.10.2.dev20260603
libtpu: 0.0.44.dev20260713+nightly
codegen_flags: <defaults>
</compile_context>

<pallas_src>
import functools

import jax
import jax.numpy as jnp
from jax import lax
from jax.experimental import pallas as pl
from jax.experimental.pallas import tpu as pltpu
from jax.experimental.pallas import tpu_sc as plsc

N = 10000
E = 320000
D = 128
HD = D // 2

NC = 2
NS = 16
NW = NC * NS
EPW = E // NW
CHUNK = 128
FIRE = 4
NCHUNK = -(-EPW // (CHUNK * FIRE)) * FIRE
EPW_PAD = NCHUNK * CHUNK
ROWS_Z = 632
ACC_R = NS * ROWS_Z
DW = 16

_mesh = plsc.VectorSubcoreMesh(core_axis_name="c", subcore_axis_name="s",
                               num_cores=NC)
_sc_params = pltpu.CompilerParams(use_tc_tiling_on_sc=False)


@functools.partial(
    pl.kernel,
    out_type=jax.ShapeDtypeStruct((NC, ACC_R, DW), jnp.float32),
    mesh=_mesh,
    compiler_params=_sc_params,
    scratch_types=[
        pltpu.VMEM((NCHUNK, CHUNK), jnp.int32),
        pltpu.VMEM((CHUNK, DW), jnp.float32),
        pltpu.VMEM_SHARED((ACC_R, DW), jnp.float32),
        pltpu.SemaphoreType.DMA,
    ],
)
def _sc_degree(dstw_hbm, out_hbm, dst_v, ones_v, acc, sem):
    c = lax.axis_index("c")
    s = lax.axis_index("s")
    wid = s * NC + c
    pltpu.sync_copy(dstw_hbm.at[wid], dst_v)

    def zfill(r, carry):
        ones_v[r, :] = jnp.zeros((16,), jnp.float32)
        return carry

    lax.fori_loop(0, CHUNK, zfill, 0, unroll=False)
    base = s * ROWS_Z
    for off, ln in ((0, CHUNK), (CHUNK, CHUNK), (2 * CHUNK, CHUNK),
                    (3 * CHUNK, CHUNK), (4 * CHUNK, ROWS_Z - 4 * CHUNK)):
        pltpu.sync_copy(ones_v.at[pl.ds(0, ln)], acc.at[pl.ds(base + off, ln)])

    onerow = jnp.where(lax.iota(jnp.int32, 16) < 1, 1.0, 0.0)

    def fill(r, carry):
        ones_v[r, :] = onerow
        return carry

    lax.fori_loop(0, CHUNK, fill, 0, unroll=False)
    plsc.subcore_barrier()

    def step(i, carry):
        cps = []
        for b in range(FIRE):
            j = i * FIRE + b
            cps.append(pltpu.async_copy(ones_v, acc.at[dst_v.at[j]], sem,
                                        add=True))
        for cp in cps:
            cp.wait()
        return carry

    lax.fori_loop(0, NCHUNK // FIRE, step, 0, unroll=False)
    plsc.subcore_barrier()
    pltpu.sync_copy(acc.at[pl.ds(s * ROWS_Z, ROWS_Z)],
                    out_hbm.at[c, pl.ds(s * ROWS_Z, ROWS_Z)])


@functools.partial(
    pl.kernel,
    out_type=jax.ShapeDtypeStruct((2 * NC, ACC_R, HD), jnp.float32),
    mesh=_mesh,
    compiler_params=_sc_params,
    scratch_types=[
        pltpu.VMEM((NCHUNK, CHUNK), jnp.int32),
        pltpu.VMEM((NCHUNK, CHUNK), jnp.int32),
        pltpu.VMEM((FIRE * CHUNK, HD), jnp.float32),
        pltpu.VMEM_SHARED((ACC_R, HD), jnp.float32),
        pltpu.SemaphoreType.DMA,
        pltpu.SemaphoreType.DMA,
    ],
)
def _sc_scatter(p0_hbm, p1_hbm, srcw_hbm, dstw_hbm, out_hbm,
                src_v, dst_v, buf, acc, gsem, ssem):
    c = lax.axis_index("c")
    s = lax.axis_index("s")
    wid = s * NC + c
    pltpu.sync_copy(srcw_hbm.at[wid], src_v)
    pltpu.sync_copy(dstw_hbm.at[wid], dst_v)
    base = s * ROWS_Z

    for t, p_hbm in enumerate((p0_hbm, p1_hbm)):
        def zfill(r, carry):
            for k in range(HD // 16):
                buf[r, pl.ds(k * 16, 16)] = jnp.zeros((16,), jnp.float32)
            return carry

        lax.fori_loop(0, CHUNK, zfill, 0, unroll=False)
        for off, ln in ((0, CHUNK), (CHUNK, CHUNK), (2 * CHUNK, CHUNK),
                        (3 * CHUNK, CHUNK), (4 * CHUNK, ROWS_Z - 4 * CHUNK)):
            pltpu.sync_copy(buf.at[pl.ds(0, ln)],
                            acc.at[pl.ds(base + off, ln)])
        plsc.subcore_barrier()

        def step(i, carry):
            gs = []
            for b in range(FIRE):
                j = i * FIRE + b
                gs.append(pltpu.async_copy(p_hbm.at[src_v.at[j]],
                                           buf.at[pl.ds(b * CHUNK, CHUNK)],
                                           gsem))
            for cp in gs:
                cp.wait()
            ss = []
            for b in range(FIRE):
                j = i * FIRE + b
                ss.append(pltpu.async_copy(buf.at[pl.ds(b * CHUNK, CHUNK)],
                                           acc.at[dst_v.at[j]], ssem,
                                           add=True))
            for cp in ss:
                cp.wait()
            return carry

        lax.fori_loop(0, NCHUNK // FIRE, step, 0, unroll=False)
        plsc.subcore_barrier()
        pltpu.sync_copy(acc.at[pl.ds(base, ROWS_Z)],
                        out_hbm.at[t * NC + c, pl.ds(base, ROWS_Z)])


_BLK = 400


def _tc_prep_body(degp_ref, x_ref, wlo_ref, whi_ref, p0_ref, p1_ref, dis_ref):
    deg = sum(degp_ref[c, :, 0:1] for c in range(NC)) + 1.0
    dis = lax.rsqrt(deg)
    dis_ref[...] = dis
    x = x_ref[...]
    p0_ref[...] = jnp.dot(x, wlo_ref[...],
                          preferred_element_type=jnp.float32) * dis
    p1_ref[...] = jnp.dot(x, whi_ref[...],
                          preferred_element_type=jnp.float32) * dis


def _tc_prep(degp, x, wlo, whi):
    return pl.pallas_call(
        _tc_prep_body,
        grid=(N // _BLK,),
        in_specs=[
            pl.BlockSpec((NC, _BLK, DW), lambda i: (0, i, 0)),
            pl.BlockSpec((_BLK, D), lambda i: (i, 0)),
            pl.BlockSpec((D, HD), lambda i: (0, 0)),
            pl.BlockSpec((D, HD), lambda i: (0, 0)),
        ],
        out_specs=[
            pl.BlockSpec((_BLK, HD), lambda i: (i, 0)),
            pl.BlockSpec((_BLK, HD), lambda i: (i, 0)),
            pl.BlockSpec((_BLK, 1), lambda i: (i, 0)),
        ],
        out_shape=[
            jax.ShapeDtypeStruct((N, HD), jnp.float32),
            jax.ShapeDtypeStruct((N, HD), jnp.float32),
            jax.ShapeDtypeStruct((N, 1), jnp.float32),
        ],
    )(degp, x, wlo, whi)


def _tc_mid_body(s_ref, p0_ref, p1_ref, dis_ref, b_ref, flag_ref, xres_ref,
                 wlo_ref, whi_ref, h_ref, pn0_ref, pn1_ref):
    dis = dis_ref[...]
    s_lo = s_ref[0] + s_ref[1] + p0_ref[...]
    s_hi = s_ref[2] + s_ref[3] + p1_ref[...]
    pre = dis * jnp.concatenate([s_lo, s_hi], axis=1) + b_ref[0:1, :]
    act = jnp.where(flag_ref[0:1, :] > 0.0, jnp.maximum(pre, 0.0), pre)
    h = act + xres_ref[...]
    h_ref[...] = h
    pn0_ref[...] = jnp.dot(h, wlo_ref[...],
                           preferred_element_type=jnp.float32) * dis
    pn1_ref[...] = jnp.dot(h, whi_ref[...],
                           preferred_element_type=jnp.float32) * dis


def _tc_mid(s, p0, p1, dis, b8, flag8, xres, wlo, whi):
    return pl.pallas_call(
        _tc_mid_body,
        grid=(N // _BLK,),
        in_specs=[
            pl.BlockSpec((2 * NC, _BLK, HD), lambda i: (0, i, 0)),
            pl.BlockSpec((_BLK, HD), lambda i: (i, 0)),
            pl.BlockSpec((_BLK, HD), lambda i: (i, 0)),
            pl.BlockSpec((_BLK, 1), lambda i: (i, 0)),
            pl.BlockSpec((8, D), lambda i: (0, 0)),
            pl.BlockSpec((8, D), lambda i: (0, 0)),
            pl.BlockSpec((_BLK, D), lambda i: (i, 0)),
            pl.BlockSpec((D, HD), lambda i: (0, 0)),
            pl.BlockSpec((D, HD), lambda i: (0, 0)),
        ],
        out_specs=[
            pl.BlockSpec((_BLK, D), lambda i: (i, 0)),
            pl.BlockSpec((_BLK, HD), lambda i: (i, 0)),
            pl.BlockSpec((_BLK, HD), lambda i: (i, 0)),
        ],
        out_shape=[
            jax.ShapeDtypeStruct((N, D), jnp.float32),
            jax.ShapeDtypeStruct((N, HD), jnp.float32),
            jax.ShapeDtypeStruct((N, HD), jnp.float32),
        ],
    )(s, p0, p1, dis, b8, flag8, xres, wlo, whi)


def kernel(graph_x, graph_edge, W1, b1, W2, b2):
    src = graph_edge[0].astype(jnp.int32)
    dst = graph_edge[1].astype(jnp.int32)

    pad = EPW_PAD - EPW
    srcw = jnp.concatenate(
        [src.reshape(NW, EPW), jnp.zeros((NW, pad), jnp.int32)], axis=1
    ).reshape(NW, NCHUNK, CHUNK)
    dstw = jnp.concatenate(
        [dst.reshape(NW, EPW), jnp.full((NW, pad), N, jnp.int32)], axis=1
    ).reshape(NW, NCHUNK, CHUNK)

    b1_8 = jnp.tile(b1.reshape(1, D), (8, 1))
    b2_8 = jnp.tile(b2.reshape(1, D), (8, 1))
    b_stack = jnp.stack([b1_8, b2_8, b2_8])
    flag_stack = jnp.stack([jnp.full((8, D), f, jnp.float32)
                            for f in (1.0, 1.0, 0.0)])

    w1lo, w1hi = W1[:, :HD], W1[:, HD:]
    w2lo, w2hi = W2[:, :HD], W2[:, HD:]

    degp = _sc_degree(dstw)
    p0, p1, dis = _tc_prep(degp, graph_x, w1lo, w1hi)

    def layer(carry, xs):
        xres, q0, q1 = carry
        b8, flag8 = xs
        s = _sc_scatter(q0, q1, srcw, dstw)
        h_new, pn0, pn1 = _tc_mid(s, q0, q1, dis, b8, flag8, xres, w2lo, w2hi)
        return (h_new, pn0, pn1), 0.0

    (out, _, _), _ = lax.scan(layer, (graph_x, p0, p1),
                              (b_stack, flag_stack))
    return out

# --- scband reference (transcript-rebuilt; emitter-appended) ---
"""Pipeline reference for scband-graph-emb-9663676416454 (READ-ONLY COPY).

The authoritative reference and input builder live on the scoring server;
editing this copy changes nothing except your own understanding.
"""

import jax, jax.numpy as jnp
import numpy as np

N = 10000
E = 320000
D = 128


def gcn_conv(x, edge_index, W, b):
    n = x.shape[0]
    loop = jnp.arange(n, dtype=edge_index.dtype)
    src = jnp.concatenate([edge_index[0], loop])
    dst = jnp.concatenate([edge_index[1], loop])
    deg = jnp.zeros((n,), x.dtype).at[dst].add(1.0)
    dis = jnp.where(deg > 0, deg ** -0.5, 0.0)
    norm = dis[src] * dis[dst]
    h = x @ W
    msg = h[src] * norm[:, None]
    out = jnp.zeros_like(h).at[dst].add(msg)
    return out + b


def glorot(key, fan_in, fan_out):
    s = (6.0 / (fan_in + fan_out)) ** 0.5
    return jax.random.uniform(key, (fan_in, fan_out), jnp.float32, -s, s)


def setup_inputs(seed: int = 0):
    key = jax.random.key(seed)
    ks = jax.random.split(key, 6)
    graph_x = jax.random.normal(ks[0], (N, D), jnp.float32)
    graph_edge = jax.random.randint(ks[1], (2, E), 0, N, jnp.int32)
    W1 = glorot(ks[2], D, D)
    b1 = jnp.zeros((D,), jnp.float32)
    W2 = glorot(ks[3], D, D)
    b2 = jnp.zeros((D,), jnp.float32)
    return {"graph_x": graph_x, "graph_edge": graph_edge, "W1": W1, "b1": b1, "W2": W2, "b2": b2}


def reference(graph_x, graph_edge, W1, b1, W2, b2):
    # dropout layers are identity in eval mode
    h_1 = graph_x
    h = jax.nn.relu(gcn_conv(graph_x, graph_edge, W1, b1))
    h_2 = h + h_1
    h = jax.nn.relu(gcn_conv(h_2, graph_edge, W2, b2))
    h_3 = h + h_2
    h = gcn_conv(h_3, graph_edge, W2, b2)  # forward reuses conv2 (conv3 unused)
    h = h + h_3
    return h

if __name__ == "__main__":
    import jax
    _d = setup_inputs()
    print(jax.jit(kernel)(*tuple(_d.values())))

</pallas_src>

<mosaic_0001>
#map = affine_map<(d0, d1) -> (0, 0)>
#map1 = affine_map<(d0, d1) -> (0, 0, 0)>
module attributes {stable_mosaic.version = 14 : i64} {
  func.func @_sc_scatter(%arg0: i32, %arg1: i32, %arg2: memref<10000x64xf32, #tpu.memory_space<hbm>>, %arg3: memref<10000x64xf32, #tpu.memory_space<hbm>>, %arg4: memref<32x80x128xi32, #tpu.memory_space<hbm>>, %arg5: memref<32x80x128xi32, #tpu.memory_space<hbm>>, %arg6: memref<4x10112x64xf32, #tpu.memory_space<hbm>>, %arg7: memref<80x128xi32, #tpu.memory_space<vmem>>, %arg8: memref<80x128xi32, #tpu.memory_space<vmem>>, %arg9: memref<512x64xf32, #tpu.memory_space<vmem>>, %arg10: memref<10112x64xf32, #tpu.memory_space<vmem_shared>>, %arg11: memref<!tpu.dma_semaphore, #tpu.memory_space<semaphore_mem>>, %arg12: memref<!tpu.dma_semaphore, #tpu.memory_space<semaphore_mem>>) attributes {dimension_semantics = [#tpu.dimension_semantics<core_parallel>, #tpu.dimension_semantics<subcore_parallel>], iteration_bounds = array<i64: 2, 16>, scalar_prefetch = 0 : i64, scratch_operands = 6 : i64, tpu.core_type = #tpu.core_type<sc_vector_subcore>, window_params = [{transform_indices = #map}, {transform_indices = #map}, {transform_indices = #map1}, {transform_indices = #map1}, {transform_indices = #map1}]} {
    %mul3A = arith.constant 2 : i32
    %mul3A_0 = arith.muli %arg1, %mul3A : i32
    %add3A = arith.addi %mul3A_0, %arg0 : i32
    "tpu.region"() ({
      %run_scoped3A = tpu.sem_alloc : memref<!tpu.dma_semaphore, #tpu.memory_space<semaphore_mem>>
      %dma_start3A = arith.constant 0 : i32
      %dma_start3A_53 = arith.constant 0 : i32
      %dma_start3A_54 = tpu.memref_slice %arg4[%add3A, %dma_start3A, %dma_start3A_53] : memref<32x80x128xi32, #tpu.memory_space<hbm>> -> memref<1x80x128xi32, #tpu.memory_space<hbm>>
      %dma_start3A_55 = tpu.memref_squeeze %dma_start3A_54 : memref<1x80x128xi32, #tpu.memory_space<hbm>> -> memref<80x128xi32, #tpu.memory_space<hbm>>
      %dma_start3A_56 = arith.constant 0 : i32
      %dma_start3A_57 = arith.constant 0 : i32
      %dma_start3A_58 = tpu.memref_slice %arg4[%add3A, %dma_start3A_56, %dma_start3A_57] : memref<32x80x128xi32, #tpu.memory_space<hbm>> -> memref<1x80x128xi32, #tpu.memory_space<hbm>>
      %dma_start3A_59 = tpu.memref_squeeze %dma_start3A_58 : memref<1x80x128xi32, #tpu.memory_space<hbm>> -> memref<80x128xi32, #tpu.memory_space<hbm>>
      tpu.enqueue_dma source(%dma_start3A_59 : memref<80x128xi32, #tpu.memory_space<hbm>>) target(%arg7 : memref<80x128xi32, #tpu.memory_space<vmem>>) target_semaphore(%run_scoped3A : memref<!tpu.dma_semaphore, #tpu.memory_space<semaphore_mem>>)
      %dma_wait3A = arith.constant 0 : i32
      %dma_wait3A_60 = arith.constant 0 : i32
      %dma_wait3A_61 = tpu.memref_slice %arg4[%add3A, %dma_wait3A, %dma_wait3A_60] : memref<32x80x128xi32, #tpu.memory_space<hbm>> -> memref<1x80x128xi32, #tpu.memory_space<hbm>>
      %dma_wait3A_62 = tpu.memref_squeeze %dma_wait3A_61 : memref<1x80x128xi32, #tpu.memory_space<hbm>> -> memref<80x128xi32, #tpu.memory_space<hbm>>
      %dma_wait3A_63 = arith.constant 0 : i32
      %dma_wait3A_64 = arith.constant 0 : i32
      %dma_wait3A_65 = tpu.memref_slice %arg4[%add3A, %dma_wait3A_63, %dma_wait3A_64] : memref<32x80x128xi32, #tpu.memory_space<hbm>> -> memref<1x80x128xi32, #tpu.memory_space<hbm>>
      %dma_wait3A_66 = tpu.memref_squeeze %dma_wait3A_65 : memref<1x80x128xi32, #tpu.memory_space<hbm>> -> memref<80x128xi32, #tpu.memory_space<hbm>>
      tpu.wait_dma2 semaphore(%run_scoped3A : memref<!tpu.dma_semaphore, #tpu.memory_space<semaphore_mem>>) src(%dma_wait3A_66 : memref<80x128xi32, #tpu.memory_space<hbm>>) dst(%arg7 : memref<80x128xi32, #tpu.memory_space<vmem>>)
      tpu.yield
    }) : () -> ()
    "tpu.region"() ({
      %run_scoped3A = tpu.sem_alloc : memref<!tpu.dma_semaphore, #tpu.memory_space<semaphore_mem>>
      %dma_start3A = arith.constant 0 : i32
      %dma_start3A_53 = arith.constant 0 : i32
      %dma_start3A_54 = tpu.memref_slice %arg5[%add3A, %dma_start3A, %dma_start3A_53] : memref<32x80x128xi32, #tpu.memory_space<hbm>> -> memref<1x80x128xi32, #tpu.memory_space<hbm>>
      %dma_start3A_55 = tpu.memref_squeeze %dma_start3A_54 : memref<1x80x128xi32, #tpu.memory_space<hbm>> -> memref<80x128xi32, #tpu.memory_space<hbm>>
      %dma_start3A_56 = arith.constant 0 : i32
      %dma_start3A_57 = arith.constant 0 : i32
      %dma_start3A_58 = tpu.memref_slice %arg5[%add3A, %dma_start3A_56, %dma_start3A_57] : memref<32x80x128xi32, #tpu.memory_space<hbm>> -> memref<1x80x128xi32, #tpu.memory_space<hbm>>
      %dma_start3A_59 = tpu.memref_squeeze %dma_start3A_58 : memref<1x80x128xi32, #tpu.memory_space<hbm>> -> memref<80x128xi32, #tpu.memory_space<hbm>>
      tpu.enqueue_dma source(%dma_start3A_59 : memref<80x128xi32, #tpu.memory_space<hbm>>) target(%arg8 : memref<80x128xi32, #tpu.memory_space<vmem>>) target_semaphore(%run_scoped3A : memref<!tpu.dma_semaphore, #tpu.memory_space<semaphore_mem>>)
      %dma_wait3A = arith.constant 0 : i32
      %dma_wait3A_60 = arith.constant 0 : i32
      %dma_wait3A_61 = tpu.memref_slice %arg5[%add3A, %dma_wait3A, %dma_wait3A_60] : memref<32x80x128xi32, #tpu.memory_space<hbm>> -> memref<1x80x128xi32, #tpu.memory_space<hbm>>
      %dma_wait3A_62 = tpu.memref_squeeze %dma_wait3A_61 : memref<1x80x128xi32, #tpu.memory_space<hbm>> -> memref<80x128xi32, #tpu.memory_space<hbm>>
      %dma_wait3A_63 = arith.constant 0 : i32
      %dma_wait3A_64 = arith.constant 0 : i32
      %dma_wait3A_65 = tpu.memref_slice %arg5[%add3A, %dma_wait3A_63, %dma_wait3A_64] : memref<32x80x128xi32, #tpu.memory_space<hbm>> -> memref<1x80x128xi32, #tpu.memory_space<hbm>>
      %dma_wait3A_66 = tpu.memref_squeeze %dma_wait3A_65 : memref<1x80x128xi32, #tpu.memory_space<hbm>> -> memref<80x128xi32, #tpu.memory_space<hbm>>
      tpu.wait_dma2 semaphore(%run_scoped3A : memref<!tpu.dma_semaphore, #tpu.memory_space<semaphore_mem>>) src(%dma_wait3A_66 : memref<80x128xi32, #tpu.memory_space<hbm>>) dst(%arg8 : memref<80x128xi32, #tpu.memory_space<vmem>>)
      tpu.yield
    }) : () -> ()
    %mul3A_1 = arith.constant 632 : i32
    %mul3A_2 = arith.muli %arg1, %mul3A_1 : i32
    %scan3A = arith.constant 0 : i32
    %scan3A_3 = arith.constant 0 : i32
    %scan3A_4 = arith.constant 128 : i32
    %scan3A_5 = arith.addi %scan3A_3, %scan3A_4 : i32
    %scan3A_6 = arith.constant 1 : i32
    scf.for %scan3A_53 = %scan3A_3 to %scan3A_5 step %scan3A_6  : i32 {
      %broadcast_in_dim3A = arith.constant 0.000000e+00 : f32
      %broadcast_in_dim3A_54 = vector.broadcast %broadcast_in_dim3A : f32 to vector<16xf32>
      %swap3A = arith.index_cast %scan3A_53 : i32 to index
      %swap3A_55 = arith.constant 0 : index
      %swap3A_56 = tpu.vector_load %arg9[%swap3A, %swap3A_55] {strides = array<i32>} : memref<512x64xf32, #tpu.memory_space<vmem>>, vector<1x16xf32>,
      %swap3A_57 = vector.shape_cast %swap3A_56 : vector<1x16xf32> to vector<16xf32>
      %swap3A_58 = vector.shape_cast %broadcast_in_dim3A_54 : vector<16xf32> to vector<1x16xf32>
      tpu.vector_store %arg9[%swap3A, %swap3A_55], %swap3A_58 {strides = array<i32>} : memref<512x64xf32, #tpu.memory_space<vmem>>, vector<1x16xf32>,
      %broadcast_in_dim3A_59 = arith.constant 0.000000e+00 : f32
      %broadcast_in_dim3A_60 = vector.broadcast %broadcast_in_dim3A_59 : f32 to vector<16xf32>
      %swap3A_61 = arith.index_cast %scan3A_53 : i32 to index
      %swap3A_62 = arith.constant 16 : index
      %swap3A_63 = tpu.vector_load %arg9[%swap3A_61, %swap3A_62] {strides = array<i32>} : memref<512x64xf32, #tpu.memory_space<vmem>>, vector<1x16xf32>,
      %swap3A_64 = vector.shape_cast %swap3A_63 : vector<1x16xf32> to vector<16xf32>
      %swap3A_65 = vector.shape_cast %broadcast_in_dim3A_60 : vector<16xf32> to vector<1x16xf32>
      tpu.vector_store %arg9[%swap3A_61, %swap3A_62], %swap3A_65 {strides = array<i32>} : memref<512x64xf32, #tpu.memory_space<vmem>>, vector<1x16xf32>,
      %broadcast_in_dim3A_66 = arith.constant 0.000000e+00 : f32
      %broadcast_in_dim3A_67 = vector.broadcast %broadcast_in_dim3A_66 : f32 to vector<16xf32>
      %swap3A_68 = arith.index_cast %scan3A_53 : i32 to index
      %swap3A_69 = arith.constant 32 : index
      %swap3A_70 = tpu.vector_load %arg9[%swap3A_68, %swap3A_69] {strides = array<i32>} : memref<512x64xf32, #tpu.memory_space<vmem>>, vector<1x16xf32>,
      %swap3A_71 = vector.shape_cast %swap3A_70 : vector<1x16xf32> to vector<16xf32>
      %swap3A_72 = vector.shape_cast %broadcast_in_dim3A_67 : vector<16xf32> to vector<1x16xf32>
      tpu.vector_store %arg9[%swap3A_68, %swap3A_69], %swap3A_72 {strides = array<i32>} : memref<512x64xf32, #tpu.memory_space<vmem>>, vector<1x16xf32>,
      %broadcast_in_dim3A_73 = arith.constant 0.000000e+00 : f32
      %broadcast_in_dim3A_74 = vector.broadcast %broadcast_in_dim3A_73 : f32 to vector<16xf32>
      %swap3A_75 = arith.index_cast %scan3A_53 : i32 to index
      %swap3A_76 = arith.constant 48 : index
      %swap3A_77 = tpu.vector_load %arg9[%swap3A_75, %swap3A_76] {strides = array<i32>} : memref<512x64xf32, #tpu.memory_space<vmem>>, vector<1x16xf32>,
      %swap3A_78 = vector.shape_cast %swap3A_77 : vector<1x16xf32> to vector<16xf32>
      %swap3A_79 = vector.shape_cast %broadcast_in_dim3A_74 : vector<16xf32> to vector<1x16xf32>
      tpu.vector_store %arg9[%swap3A_75, %swap3A_76], %swap3A_79 {strides = array<i32>} : memref<512x64xf32, #tpu.memory_space<vmem>>, vector<1x16xf32>,
    }
    %scan3A_7 = arith.constant 128 : i32
    %add3A_8 = arith.constant 0 : i32
    %add3A_9 = arith.addi %mul3A_2, %add3A_8 : i32
    "tpu.region"() ({
      %run_scoped3A = tpu.sem_alloc : memref<!tpu.dma_semaphore, #tpu.memory_space<semaphore_mem>>
      %dma_start3A = arith.constant 0 : i32
      %dma_start3A_53 = arith.constant 0 : i32
      %dma_start3A_54 = tpu.memref_slice %arg9[%dma_start3A, %dma_start3A_53] : memref<512x64xf32, #tpu.memory_space<vmem>> -> memref<128x64xf32, #tpu.memory_space<vmem>>
      %dma_start3A_55 = arith.constant 0 : i32
      %dma_start3A_56 = tpu.memref_slice %arg10[%add3A_9, %dma_start3A_55] : memref<10112x64xf32, #tpu.memory_space<vmem_shared>> -> memref<128x64xf32, #tpu.memory_space<vmem_shared>>
      %dma_start3A_57 = arith.constant 0 : i32
      %dma_start3A_58 = tpu.memref_slice %arg10[%add3A_9, %dma_start3A_57] : memref<10112x64xf32, #tpu.memory_space<vmem_shared>> -> memref<128x64xf32, #tpu.memory_space<vmem_shared>>
      %dma_start3A_59 = arith.constant 0 : i32
      %dma_start3A_60 = arith.constant 0 : i32
      %dma_start3A_61 = tpu.memref_slice %arg9[%dma_start3A_59, %dma_start3A_60] : memref<512x64xf32, #tpu.memory_space<vmem>> -> memref<128x64xf32, #tpu.memory_space<vmem>>
      tpu.enqueue_dma source(%dma_start3A_61 : memref<128x64xf32, #tpu.memory_space<vmem>>) target(%dma_start3A_58 : memref<128x64xf32, #tpu.memory_space<vmem_shared>>) target_semaphore(%run_scoped3A : memref<!tpu.dma_semaphore, #tpu.memory_space<semaphore_mem>>)
      %dma_wait3A = arith.constant 0 : i32
      %dma_wait3A_62 = arith.constant 0 : i32
      %dma_wait3A_63 = tpu.memref_slice %arg9[%dma_wait3A, %dma_wait3A_62] : memref<512x64xf32, #tpu.memory_space<vmem>> -> memref<128x64xf32, #tpu.memory_space<vmem>>
      %dma_wait3A_64 = arith.constant 0 : i32
      %dma_wait3A_65 = tpu.memref_slice %arg10[%add3A_9, %dma_wait3A_64] : memref<10112x64xf32, #tpu.memory_space<vmem_shared>> -> memref<128x64xf32, #tpu.memory_space<vmem_shared>>
      %dma_wait3A_66 = arith.constant 0 : i32
      %dma_wait3A_67 = tpu.memref_slice %arg10[%add3A_9, %dma_wait3A_66] : memref<10112x64xf32, #tpu.memory_space<vmem_shared>> -> memref<128x64xf32, #tpu.memory_space<vmem_shared>>
      %dma_wait3A_68 = arith.constant 0 : i32
      %dma_wait3A_69 = arith.constant 0 : i32
      %dma_wait3A_70 = tpu.memref_slice %arg9[%dma_wait3A_68, %dma_wait3A_69] : memref<512x64xf32, #tpu.memory_space<vmem>> -> memref<128x64xf32, #tpu.memory_space<vmem>>
      tpu.wait_dma2 semaphore(%run_scoped3A : memref<!tpu.dma_semaphore, #tpu.memory_space<semaphore_mem>>) src(%dma_wait3A_70 : memref<128x64xf32, #tpu.memory_space<vmem>>) dst(%dma_wait3A_67 : memref<128x64xf32, #tpu.memory_space<vmem_shared>>)
      tpu.yield
    }) : () -> ()
    %add3A_10 = arith.constant 128 : i32
    %add3A_11 = arith.addi %mul3A_2, %add3A_10 : i32
    "tpu.region"() ({
      %run_scoped3A = tpu.sem_alloc : memref<!tpu.dma_semaphore, #tpu.memory_space<semaphore_mem>>
      %dma_start3A = arith.constant 0 : i32
      %dma_start3A_53 = arith.constant 0 : i32
      %dma_start3A_54 = tpu.memref_slice %arg9[%dma_start3A, %dma_start3A_53] : memref<512x64xf32, #tpu.memory_space<vmem>> -> memref<128x64xf32, #tpu.memory_space<vmem>>
      %dma_start3A_55 = arith.constant 0 : i32
      %dma_start3A_56 = tpu.memref_slice %arg10[%add3A_11, %dma_start3A_55] : memref<10112x64xf32, #tpu.memory_space<vmem_shared>> -> memref<128x64xf32, #tpu.memory_space<vmem_shared>>
      %dma_start3A_57 = arith.constant 0 : i32
      %dma_start3A_58 = tpu.memref_slice %arg10[%add3A_11, %dma_start3A_57] : memref<10112x64xf32, #tpu.memory_space<vmem_shared>> -> memref<128x64xf32, #tpu.memory_space<vmem_shared>>
      %dma_start3A_59 = arith.constant 0 : i32
      %dma_start3A_60 = arith.constant 0 : i32
      %dma_start3A_61 = tpu.memref_slice %arg9[%dma_start3A_59, %dma_start3A_60] : memref<512x64xf32, #tpu.memory_space<vmem>> -> memref<128x64xf32, #tpu.memory_space<vmem>>
      tpu.enqueue_dma source(%dma_start3A_61 : memref<128x64xf32, #tpu.memory_space<vmem>>) target(%dma_start3A_58 : memref<128x64xf32, #tpu.memory_space<vmem_shared>>) target_semaphore(%run_scoped3A : memref<!tpu.dma_semaphore, #tpu.memory_space<semaphore_mem>>)
      %dma_wait3A = arith.constant 0 : i32
      %dma_wait3A_62 = arith.constant 0 : i32
      %dma_wait3A_63 = tpu.memref_slice %arg9[%dma_wait3A, %dma_wait3A_62] : memref<512x64xf32, #tpu.memory_space<vmem>> -> memref<128x64xf32, #tpu.memory_space<vmem>>
      %dma_wait3A_64 = arith.constant 0 : i32
      %dma_wait3A_65 = tpu.memref_slice %arg10[%add3A_11, %dma_wait3A_64] : memref<10112x64xf32, #tpu.memory_space<vmem_shared>> -> memref<128x64xf32, #tpu.memory_space<vmem_shared>>
      %dma_wait3A_66 = arith.constant 0 : i32
      %dma_wait3A_67 = tpu.memref_slice %arg10[%add3A_11, %dma_wait3A_66] : memref<10112x64xf32, #tpu.memory_space<vmem_shared>> -> memref<128x64xf32, #tpu.memory_space<vmem_shared>>
      %dma_wait3A_68 = arith.constant 0 : i32
      %dma_wait3A_69 = arith.constant 0 : i32
      %dma_wait3A_70 = tpu.memref_slice %arg9[%dma_wait3A_68, %dma_wait3A_69] : memref<512x64xf32, #tpu.memory_space<vmem>> -> memref<128x64xf32, #tpu.memory_space<vmem>>
      tpu.wait_dma2 semaphore(%run_scoped3A : memref<!tpu.dma_semaphore, #tpu.memory_space<semaphore_mem>>) src(%dma_wait3A_70 : memref<128x64xf32, #tpu.memory_space<vmem>>) dst(%dma_wait3A_67 : memref<128x64xf32, #tpu.memory_space<vmem_shared>>)
      tpu.yield
    }) : () -> ()
    %add3A_12 = arith.constant 256 : i32
    %add3A_13 = arith.addi %mul3A_2, %add3A_12 : i32
    "tpu.region"() ({
      %run_scoped3A = tpu.sem_alloc : memref<!tpu.dma_semaphore, #tpu.memory_space<semaphore_mem>>
      %dma_start3A = arith.constant 0 : i32
      %dma_start3A_53 = arith.constant 0 : i32
      %dma_start3A_54 = tpu.memref_slice %arg9[%dma_start3A, %dma_start3A_53] : memref<512x64xf32, #tpu.memory_space<vmem>> -> memref<128x64xf32, #tpu.memory_space<vmem>>
      %dma_start3A_55 = arith.constant 0 : i32
      %dma_start3A_56 = tpu.memref_slice %arg10[%add3A_13, %dma_start3A_55] : memref<10112x64xf32, #tpu.memory_space<vmem_shared>> -> memref<128x64xf32, #tpu.memory_space<vmem_shared>>
      %dma_start3A_57 = arith.constant 0 : i32
      %dma_start3A_58 = tpu.memref_slice %arg10[%add3A_13, %dma_start3A_57] : memref<10112x64xf32, #tpu.memory_space<vmem_shared>> -> memref<128x64xf32, #tpu.memory_space<vmem_shared>>
      %dma_start3A_59 = arith.constant 0 : i32
      %dma_start3A_60 = arith.constant 0 : i32
      %dma_start3A_61 = tpu.memref_slice %arg9[%dma_start3A_59, %dma_start3A_60] : memref<512x64xf32, #tpu.memory_space<vmem>> -> memref<128x64xf32, #tpu.memory_space<vmem>>
      tpu.enqueue_dma source(%dma_start3A_61 : memref<128x64xf32, #tpu.memory_space<vmem>>) target(%dma_start3A_58 : memref<128x64xf32, #tpu.memory_space<vmem_shared>>) target_semaphore(%run_scoped3A : memref<!tpu.dma_semaphore, #tpu.memory_space<semaphore_mem>>)
      %dma_wait3A = arith.constant 0 : i32
      %dma_wait3A_62 = arith.constant 0 : i32
      %dma_wait3A_63 = tpu.memref_slice %arg9[%dma_wait3A, %dma_wait3A_62] : memref<512x64xf32, #tpu.memory_space<vmem>> -> memref<128x64xf32, #tpu.memory_space<vmem>>
      %dma_wait3A_64 = arith.constant 0 : i32
      %dma_wait3A_65 = tpu.memref_slice %arg10[%add3A_13, %dma_wait3A_64] : memref<10112x64xf32, #tpu.memory_space<vmem_shared>> -> memref<128x64xf32, #tpu.memory_space<vmem_shared>>
      %dma_wait3A_66 = arith.constant 0 : i32
      %dma_wait3A_67 = tpu.memref_slice %arg10[%add3A_13, %dma_wait3A_66] : memref<10112x64xf32, #tpu.memory_space<vmem_shared>> -> memref<128x64xf32, #tpu.memory_space<vmem_shared>>
      %dma_wait3A_68 = arith.constant 0 : i32
      %dma_wait3A_69 = arith.constant 0 : i32
      %dma_wait3A_70 = tpu.memref_slice %arg9[%dma_wait3A_68, %dma_wait3A_69] : memref<512x64xf32, #tpu.memory_space<vmem>> -> memref<128x64xf32, #tpu.memory_space<vmem>>
      tpu.wait_dma2 semaphore(%run_scoped3A : memref<!tpu.dma_semaphore, #tpu.memory_space<semaphore_mem>>) src(%dma_wait3A_70 : memref<128x64xf32, #tpu.memory_space<vmem>>) dst(%dma_wait3A_67 : memref<128x64xf32, #tpu.memory_space<vmem_shared>>)
      tpu.yield
    }) : () -> ()
    %add3A_14 = arith.constant 384 : i32
    %add3A_15 = arith.addi %mul3A_2, %add3A_14 : i32
    "tpu.region"() ({
      %run_scoped3A = tpu.sem_alloc : memref<!tpu.dma_semaphore, #tpu.memory_space<semaphore_mem>>
      %dma_start3A = arith.constant 0 : i32
      %dma_start3A_53 = arith.constant 0 : i32
      %dma_start3A_54 = tpu.memref_slice %arg9[%dma_start3A, %dma_start3A_53] : memref<512x64xf32, #tpu.memory_space<vmem>> -> memref<128x64xf32, #tpu.memory_space<vmem>>
      %dma_start3A_55 = arith.constant 0 : i32
      %dma_start3A_56 = tpu.memref_slice %arg10[%add3A_15, %dma_start3A_55] : memref<10112x64xf32, #tpu.memory_space<vmem_shared>> -> memref<128x64xf32, #tpu.memory_space<vmem_shared>>
      %dma_start3A_57 = arith.constant 0 : i32
      %dma_start3A_58 = tpu.memref_slice %arg10[%add3A_15, %dma_start3A_57] : memref<10112x64xf32, #tpu.memory_space<vmem_shared>> -> memref<128x64xf32, #tpu.memory_space<vmem_shared>>
      %dma_start3A_59 = arith.constant 0 : i32
      %dma_start3A_60 = arith.constant 0 : i32
      %dma_start3A_61 = tpu.memref_slice %arg9[%dma_start3A_59, %dma_start3A_60] : memref<512x64xf32, #tpu.memory_space<vmem>> -> memref<128x64xf32, #tpu.memory_space<vmem>>
      tpu.enqueue_dma source(%dma_start3A_61 : memref<128x64xf32, #tpu.memory_space<vmem>>) target(%dma_start3A_58 : memref<128x64xf32, #tpu.memory_space<vmem_shared>>) target_semaphore(%run_scoped3A : memref<!tpu.dma_semaphore, #tpu.memory_space<semaphore_mem>>)
      %dma_wait3A = arith.constant 0 : i32
      %dma_wait3A_62 = arith.constant 0 : i32
      %dma_wait3A_63 = tpu.memref_slice %arg9[%dma_wait3A, %dma_wait3A_62] : memref<512x64xf32, #tpu.memory_space<vmem>> -> memref<128x64xf32, #tpu.memory_space<vmem>>
      %dma_wait3A_64 = arith.constant 0 : i32
      %dma_wait3A_65 = tpu.memref_slice %arg10[%add3A_15, %dma_wait3A_64] : memref<10112x64xf32, #tpu.memory_space<vmem_shared>> -> memref<128x64xf32, #tpu.memory_space<vmem_shared>>
      %dma_wait3A_66 = arith.constant 0 : i32
      %dma_wait3A_67 = tpu.memref_slice %arg10[%add3A_15, %dma_wait3A_66] : memref<10112x64xf32, #tpu.memory_space<vmem_shared>> -> memref<128x64xf32, #tpu.memory_space<vmem_shared>>
      %dma_wait3A_68 = arith.constant 0 : i32
      %dma_wait3A_69 = arith.constant 0 : i32
      %dma_wait3A_70 = tpu.memref_slice %arg9[%dma_wait3A_68, %dma_wait3A_69] : memref<512x64xf32, #tpu.memory_space<vmem>> -> memref<128x64xf32, #tpu.memory_space<vmem>>
      tpu.wait_dma2 semaphore(%run_scoped3A : memref<!tpu.dma_semaphore, #tpu.memory_space<semaphore_mem>>) src(%dma_wait3A_70 : memref<128x64xf32, #tpu.memory_space<vmem>>) dst(%dma_wait3A_67 : memref<128x64xf32, #tpu.memory_space<vmem_shared>>)
      tpu.yield
    }) : () -> ()
    %add3A_16 = arith.constant 512 : i32
    %add3A_17 = arith.addi %mul3A_2, %add3A_16 : i32
    "tpu.region"() ({
      %run_scoped3A = tpu.sem_alloc : memref<!tpu.dma_semaphore, #tpu.memory_space<semaphore_mem>>
      %dma_start3A = arith.constant 0 : i32
      %dma_start3A_53 = arith.constant 0 : i32
      %dma_start3A_54 = tpu.memref_slice %arg9[%dma_start3A, %dma_start3A_53] : memref<512x64xf32, #tpu.memory_space<vmem>> -> memref<120x64xf32, #tpu.memory_space<vmem>>
      %dma_start3A_55 = arith.constant 0 : i32
      %dma_start3A_56 = tpu.memref_slice %arg10[%add3A_17, %dma_start3A_55] : memref<10112x64xf32, #tpu.memory_space<vmem_shared>> -> memref<120x64xf32, #tpu.memory_space<vmem_shared>>
      %dma_start3A_57 = arith.constant 0 : i32
      %dma_start3A_58 = tpu.memref_slice %arg10[%add3A_17, %dma_start3A_57] : memref<10112x64xf32, #tpu.memory_space<vmem_shared>> -> memref<120x64xf32, #tpu.memory_space<vmem_shared>>
      %dma_start3A_59 = arith.constant 0 : i32
      %dma_start3A_60 = arith.constant 0 : i32
      %dma_start3A_61 = tpu.memref_slice %arg9[%dma_start3A_59, %dma_start3A_60] : memref<512x64xf32, #tpu.memory_space<vmem>> -> memref<120x64xf32, #tpu.memory_space<vmem>>
      tpu.enqueue_dma source(%dma_start3A_61 : memref<120x64xf32, #tpu.memory_space<vmem>>) target(%dma_start3A_58 : memref<120x64xf32, #tpu.memory_space<vmem_shared>>) target_semaphore(%run_scoped3A : memref<!tpu.dma_semaphore, #tpu.memory_space<semaphore_mem>>)
      %dma_wait3A = arith.constant 0 : i32
      %dma_wait3A_62 = arith.constant 0 : i32
      %dma_wait3A_63 = tpu.memref_slice %arg9[%dma_wait3A, %dma_wait3A_62] : memref<512x64xf32, #tpu.memory_space<vmem>> -> memref<120x64xf32, #tpu.memory_space<vmem>>
      %dma_wait3A_64 = arith.constant 0 : i32
      %dma_wait3A_65 = tpu.memref_slice %arg10[%add3A_17, %dma_wait3A_64] : memref<10112x64xf32, #tpu.memory_space<vmem_shared>> -> memref<120x64xf32, #tpu.memory_space<vmem_shared>>
      %dma_wait3A_66 = arith.constant 0 : i32
      %dma_wait3A_67 = tpu.memref_slice %arg10[%add3A_17, %dma_wait3A_66] : memref<10112x64xf32, #tpu.memory_space<vmem_shared>> -> memref<120x64xf32, #tpu.memory_space<vmem_shared>>
      %dma_wait3A_68 = arith.constant 0 : i32
      %dma_wait3A_69 = arith.constant 0 : i32
      %dma_wait3A_70 = tpu.memref_slice %arg9[%dma_wait3A_68, %dma_wait3A_69] : memref<512x64xf32, #tpu.memory_space<vmem>> -> memref<120x64xf32, #tpu.memory_space<vmem>>
      tpu.wait_dma2 semaphore(%run_scoped3A : memref<!tpu.dma_semaphore, #tpu.memory_space<semaphore_mem>>) src(%dma_wait3A_70 : memref<120x64xf32, #tpu.memory_space<vmem>>) dst(%dma_wait3A_67 : memref<120x64xf32, #tpu.memory_space<vmem_shared>>)
      tpu.yield
    }) : () -> ()
    %barrier3A = arith.constant 0 : index
    tpu.barrier barrier_id(%barrier3A)
    %scan3A_18 = arith.constant 0 : i32
    %scan3A_19 = arith.constant 0 : i32
    %scan3A_20 = arith.constant 20 : i32
    %scan3A_21 = arith.addi %scan3A_19, %scan3A_20 : i32
    %scan3A_22 = arith.constant 1 : i32
    scf.for %scan3A_53 = %scan3A_19 to %scan3A_21 step %scan3A_22  : i32 {
      %mul3A_54 = arith.constant 4 : i32
      %mul3A_55 = arith.muli %scan3A_53, %mul3A_54 : i32
      %add3A_56 = arith.constant 0 : i32
      %add3A_57 = arith.addi %mul3A_55, %add3A_56 : i32
      %dma_start3A = arith.constant 0 : i32
      %dma_start3A_58 = arith.constant 0 : i32
      %dma_start3A_59 = tpu.memref_slice %arg9[%dma_start3A, %dma_start3A_58] : memref<512x64xf32, #tpu.memory_space<vmem>> -> memref<128x64xf32, #tpu.memory_space<vmem>>
      %dma_start3A_60 = arith.constant 0 : i32
      %dma_start3A_61 = tpu.memref_slice %arg7[%add3A_57, %dma_start3A_60] : memref<80x128xi32, #tpu.memory_space<vmem>> -> memref<1x128xi32, #tpu.memory_space<vmem>>
      %dma_start3A_62 = tpu.memref_squeeze %dma_start3A_61 : memref<1x128xi32, #tpu.memory_space<vmem>> -> memref<128xi32, #tpu.memory_space<vmem>>
      %dma_start3A_63 = arith.constant 0 : i32
      %dma_start3A_64 = arith.constant 0 : i32
      %dma_start3A_65 = tpu.memref_slice %arg2[%dma_start3A_63, %dma_start3A_64] : memref<10000x64xf32, #tpu.memory_space<hbm>> -> memref<10000x64xf32, #tpu.memory_space<hbm>>
      tpu.enqueue_indirect_dma source(%dma_start3A_65 : memref<10000x64xf32, #tpu.memory_space<hbm>>) target(%dma_start3A_59 : memref<128x64xf32, #tpu.memory_space<vmem>>) offsets(%dma_start3A_62 : memref<128xi32, #tpu.memory_space<vmem>>) semaphore(%arg11 : memref<!tpu.dma_semaphore, #tpu.memory_space<semaphore_mem>>)
      %mul3A_66 = arith.constant 4 : i32
      %mul3A_67 = arith.muli %scan3A_53, %mul3A_66 : i32
      %add3A_68 = arith.constant 1 : i32
      %add3A_69 = arith.addi %mul3A_67, %add3A_68 : i32
      %dma_start3A_70 = arith.constant 128 : i32
      %dma_start3A_71 = arith.constant 0 : i32
      %dma_start3A_72 = tpu.memref_slice %arg9[%dma_start3A_70, %dma_start3A_71] : memref<512x64xf32, #tpu.memory_space<vmem>> -> memref<128x64xf32, #tpu.memory_space<vmem>>
      %dma_start3A_73 = arith.constant 0 : i32
      %dma_start3A_74 = tpu.memref_slice %arg7[%add3A_69, %dma_start3A_73] : memref<80x128xi32, #tpu.memory_space<vmem>> -> memref<1x128xi32, #tpu.memory_space<vmem>>
      %dma_start3A_75 = tpu.memref_squeeze %dma_start3A_74 : memref<1x128xi32, #tpu.memory_space<vmem>> -> memref<128xi32, #tpu.memory_space<vmem>>
      %dma_start3A_76 = arith.constant 0 : i32
      %dma_start3A_77 = arith.constant 0 : i32
      %dma_start3A_78 = tpu.memref_slice %arg2[%dma_start3A_76, %dma_start3A_77] : memref<10000x64xf32, #tpu.memory_space<hbm>> -> memref<10000x64xf32, #tpu.memory_space<hbm>>
      tpu.enqueue_indirect_dma source(%dma_start3A_78 : memref<10000x64xf32, #tpu.memory_space<hbm>>) target(%dma_start3A_72 : memref<128x64xf32, #tpu.memory_space<vmem>>) offsets(%dma_start3A_75 : memref<128xi32, #tpu.memory_space<vmem>>) semaphore(%arg11 : memref<!tpu.dma_semaphore, #tpu.memory_space<semaphore_mem>>)
      %mul3A_79 = arith.constant 4 : i32
      %mul3A_80 = arith.muli %scan3A_53, %mul3A_79 : i32
      %add3A_81 = arith.constant 2 : i32
      %add3A_82 = arith.addi %mul3A_80, %add3A_81 : i32
      %dma_start3A_83 = arith.constant 256 : i32
      %dma_start3A_84 = arith.constant 0 : i32
      %dma_start3A_85 = tpu.memref_slice %arg9[%dma_start3A_83, %dma_start3A_84] : memref<512x64xf32, #tpu.memory_space<vmem>> -> memref<128x64xf32, #tpu.memory_space<vmem>>
      %dma_start3A_86 = arith.constant 0 : i32
      %dma_start3A_87 = tpu.memref_slice %arg7[%add3A_82, %dma_start3A_86] : memref<80x128xi32, #tpu.memory_space<vmem>> -> memref<1x128xi32, #tpu.memory_space<vmem>>
      %dma_start3A_88 = tpu.memref_squeeze %dma_start3A_87 : memref<1x128xi32, #tpu.memory_space<vmem>> -> memref<128xi32, #tpu.memory_space<vmem>>
      %dma_start3A_89 = arith.constant 0 : i32
      %dma_start3A_90 = arith.constant 0 : i32
      %dma_start3A_91 = tpu.memref_slice %arg2[%dma_start3A_89, %dma_start3A_90] : memref<10000x64xf32, #tpu.memory_space<hbm>> -> memref<10000x64xf32, #tpu.memory_space<hbm>>
      tpu.enqueue_indirect_dma source(%dma_start3A_91 : memref<10000x64xf32, #tpu.memory_space<hbm>>) target(%dma_start3A_85 : memref<128x64xf32, #tpu.memory_space<vmem>>) offsets(%dma_start3A_88 : memref<128xi32, #tpu.memory_space<vmem>>) semaphore(%arg11 : memref<!tpu.dma_semaphore, #tpu.memory_space<semaphore_mem>>)
      %mul3A_92 = arith.constant 4 : i32
      %mul3A_93 = arith.muli %scan3A_53, %mul3A_92 : i32
      %add3A_94 = arith.constant 3 : i32
      %add3A_95 = arith.addi %mul3A_93, %add3A_94 : i32
      %dma_start3A_96 = arith.constant 384 : i32
      %dma_start3A_97 = arith.constant 0 : i32
      %dma_start3A_98 = tpu.memref_slice %arg9[%dma_start3A_96, %dma_start3A_97] : memref<512x64xf32, #tpu.memory_space<vmem>> -> memref<128x64xf32, #tpu.memory_space<vmem>>
      %dma_start3A_99 = arith.constant 0 : i32
      %dma_start3A_100 = tpu.memref_slice %arg7[%add3A_95, %dma_start3A_99] : memref<80x128xi32, #tpu.memory_space<vmem>> -> memref<1x128xi32, #tpu.memory_space<vmem>>
      %dma_start3A_101 = tpu.memref_squeeze %dma_start3A_100 : memref<1x128xi32, #tpu.memory_space<vmem>> -> memref<128xi32, #tpu.memory_space<vmem>>
      %dma_start3A_102 = arith.constant 0 : i32
      %dma_start3A_103 = arith.constant 0 : i32
      %dma_start3A_104 = tpu.memref_slice %arg2[%dma_start3A_102, %dma_start3A_103] : memref<10000x64xf32, #tpu.memory_space<hbm>> -> memref<10000x64xf32, #tpu.memory_space<hbm>>
      tpu.enqueue_indirect_dma source(%dma_start3A_104 : memref<10000x64xf32, #tpu.memory_space<hbm>>) target(%dma_start3A_98 : memref<128x64xf32, #tpu.memory_space<vmem>>) offsets(%dma_start3A_101 : memref<128xi32, #tpu.memory_space<vmem>>) semaphore(%arg11 : memref<!tpu.dma_semaphore, #tpu.memory_space<semaphore_mem>>)
      %dma_wait3A = arith.constant 0 : i32
      %dma_wait3A_105 = arith.constant 0 : i32
      %dma_wait3A_106 = tpu.memref_slice %arg9[%dma_wait3A, %dma_wait3A_105] : memref<512x64xf32, #tpu.memory_space<vmem>> -> memref<128x64xf32, #tpu.memory_space<vmem>>
      %dma_wait3A_107 = arith.constant 0 : i32
      %dma_wait3A_108 = tpu.memref_slice %arg7[%add3A_57, %dma_wait3A_107] : memref<80x128xi32, #tpu.memory_space<vmem>> -> memref<1x128xi32, #tpu.memory_space<vmem>>
      %dma_wait3A_109 = tpu.memref_squeeze %dma_wait3A_108 : memref<1x128xi32, #tpu.memory_space<vmem>> -> memref<128xi32, #tpu.memory_space<vmem>>
      %dma_wait3A_110 = arith.constant 0 : i32
      %dma_wait3A_111 = arith.constant 0 : i32
      %dma_wait3A_112 = tpu.memref_slice %arg2[%dma_wait3A_110, %dma_wait3A_111] : memref<10000x64xf32, #tpu.memory_space<hbm>> -> memref<10000x64xf32, #tpu.memory_space<hbm>>
      tpu.wait_indirect_dma semaphore(%arg11 : memref<!tpu.dma_semaphore, #tpu.memory_space<semaphore_mem>>) src(%dma_wait3A_112 : memref<10000x64xf32, #tpu.memory_space<hbm>>) dst(%dma_wait3A_106 : memref<128x64xf32, #tpu.memory_space<vmem>>)
      %dma_wait3A_113 = arith.constant 128 : i32
      %dma_wait3A_114 = arith.constant 0 : i32
      %dma_wait3A_115 = tpu.memref_slice %arg9[%dma_wait3A_113, %dma_wait3A_114] : memref<512x64xf32, #tpu.memory_space<vmem>> -> memref<128x64xf32, #tpu.memory_space<vmem>>
      %dma_wait3A_116 = arith.constant 0 : i32
      %dma_wait3A_117 = tpu.memref_slice %arg7[%add3A_69, %dma_wait3A_116] : memref<80x128xi32, #tpu.memory_space<vmem>> -> memref<1x128xi32, #tpu.memory_space<vmem>>
      %dma_wait3A_118 = tpu.memref_squeeze %dma_wait3A_117 : memref<1x128xi32, #tpu.memory_space<vmem>> -> memref<128xi32, #tpu.memory_space<vmem>>
      %dma_wait3A_119 = arith.constant 0 : i32
      %dma_wait3A_120 = arith.constant 0 : i32
      %dma_wait3A_121 = tpu.memref_slice %arg2[%dma_wait3A_119, %dma_wait3A_120] : memref<10000x64xf32, #tpu.memory_space<hbm>> -> memref<10000x64xf32, #tpu.memory_space<hbm>>
      tpu.wait_indirect_dma semaphore(%arg11 : memref<!tpu.dma_semaphore, #tpu.memory_space<semaphore_mem>>) src(%dma_wait3A_121 : memref<10000x64xf32, #tpu.memory_space<hbm>>) dst(%dma_wait3A_115 : memref<128x64xf32, #tpu.memory_space<vmem>>)
      %dma_wait3A_122 = arith.constant 256 : i32
      %dma_wait3A_123 = arith.constant 0 : i32
      %dma_wait3A_124 = tpu.memref_slice %arg9[%dma_wait3A_122, %dma_wait3A_123] : memref<512x64xf32, #tpu.memory_space<vmem>> -> memref<128x64xf32, #tpu.memory_space<vmem>>
      %dma_wait3A_125 = arith.constant 0 : i32
      %dma_wait3A_126 = tpu.memref_slice %arg7[%add3A_82, %dma_wait3A_125] : memref<80x128xi32, #tpu.memory_space<vmem>> -> memref<1x128xi32, #tpu.memory_space<vmem>>
      %dma_wait3A_127 = tpu.memref_squeeze %dma_wait3A_126 : memref<1x128xi32, #tpu.memory_space<vmem>> -> memref<128xi32, #tpu.memory_space<vmem>>
      %dma_wait3A_128 = arith.constant 0 : i32
      %dma_wait3A_129 = arith.constant 0 : i32
      %dma_wait3A_130 = tpu.memref_slice %arg2[%dma_wait3A_128, %dma_wait3A_129] : memref<10000x64xf32, #tpu.memory_space<hbm>> -> memref<10000x64xf32, #tpu.memory_space<hbm>>
      tpu.wait_indirect_dma semaphore(%arg11 : memref<!tpu.dma_semaphore, #tpu.memory_space<semaphore_mem>>) src(%dma_wait3A_130 : memref<10000x64xf32, #tpu.memory_space<hbm>>) dst(%dma_wait3A_124 : memref<128x64xf32, #tpu.memory_space<vmem>>)
      %dma_wait3A_131 = arith.constant 384 : i32
      %dma_wait3A_132 = arith.constant 0 : i32
      %dma_wait3A_133 = tpu.memref_slice %arg9[%dma_wait3A_131, %dma_wait3A_132] : memref<512x64xf32, #tpu.memory_space<vmem>> -> memref<128x64xf32, #tpu.memory_space<vmem>>
      %dma_wait3A_134 = arith.constant 0 : i32
      %dma_wait3A_135 = tpu.memref_slice %arg7[%add3A_95, %dma_wait3A_134] : memref<80x128xi32, #tpu.memory_space<vmem>> -> memref<1x128xi32, #tpu.memory_space<vmem>>
      %dma_wait3A_136 = tpu.memref_squeeze %dma_wait3A_135 : memref<1x128xi32, #tpu.memory_space<vmem>> -> memref<128xi32, #tpu.memory_space<vmem>>
      %dma_wait3A_137 = arith.constant 0 : i32
      %dma_wait3A_138 = arith.constant 0 : i32
      %dma_wait3A_139 = tpu.memref_slice %arg2[%dma_wait3A_137, %dma_wait3A_138] : memref<10000x64xf32, #tpu.memory_space<hbm>> -> memref<10000x64xf32, #tpu.memory_space<hbm>>
      tpu.wait_indirect_dma semaphore(%arg11 : memref<!tpu.dma_semaphore, #tpu.memory_space<semaphore_mem>>) src(%dma_wait3A_139 : memref<10000x64xf32, #tpu.memory_space<hbm>>) dst(%dma_wait3A_133 : memref<128x64xf32, #tpu.memory_space<vmem>>)
      %mul3A_140 = arith.constant 4 : i32
      %mul3A_141 = arith.muli %scan3A_53, %mul3A_140 : i32
      %add3A_142 = arith.constant 0 : i32
      %add3A_143 = arith.addi %mul3A_141, %add3A_142 : i32
      %dma_start3A_144 = arith.constant 0 : i32
      %dma_start3A_145 = arith.constant 0 : i32
      %dma_start3A_146 = tpu.memref_slice %arg9[%dma_start3A_144, %dma_start3A_145] : memref<512x64xf32, #tpu.memory_space<vmem>> -> memref<128x64xf32, #tpu.memory_space<vmem>>
      %dma_start3A_147 = arith.constant 0 : i32
      %dma_start3A_148 = tpu.memref_slice %arg8[%add3A_143, %dma_start3A_147] : memref<80x128xi32, #tpu.memory_space<vmem>> -> memref<1x128xi32, #tpu.memory_space<vmem>>
      %dma_start3A_149 = tpu.memref_squeeze %dma_start3A_148 : memref<1x128xi32, #tpu.memory_space<vmem>> -> memref<128xi32, #tpu.memory_space<vmem>>
      %dma_start3A_150 = arith.constant 0 : i32
      %dma_start3A_151 = arith.constant 0 : i32
      %dma_start3A_152 = tpu.memref_slice %arg10[%dma_start3A_150, %dma_start3A_151] : memref<10112x64xf32, #tpu.memory_space<vmem_shared>> -> memref<10112x64xf32, #tpu.memory_space<vmem_shared>>
      tpu.enqueue_indirect_dma source(%dma_start3A_146 : memref<128x64xf32, #tpu.memory_space<vmem>>) target(%dma_start3A_152 : memref<10112x64xf32, #tpu.memory_space<vmem_shared>>) offsets(%dma_start3A_149 : memref<128xi32, #tpu.memory_space<vmem>>) semaphore(%arg12 : memref<!tpu.dma_semaphore, #tpu.memory_space<semaphore_mem>>) {add = true}
      %mul3A_153 = arith.constant 4 : i32
      %mul3A_154 = arith.muli %scan3A_53, %mul3A_153 : i32
      %add3A_155 = arith.constant 1 : i32
      %add3A_156 = arith.addi %mul3A_154, %add3A_155 : i32
      %dma_start3A_157 = arith.constant 128 : i32
      %dma_start3A_158 = arith.constant 0 : i32
      %dma_start3A_159 = tpu.memref_slice %arg9[%dma_start3A_157, %dma_start3A_158] : memref<512x64xf32, #tpu.memory_space<vmem>> -> memref<128x64xf32, #tpu.memory_space<vmem>>
      %dma_start3A_160 = arith.constant 0 : i32
      %dma_start3A_161 = tpu.memref_slice %arg8[%add3A_156, %dma_start3A_160] : memref<80x128xi32, #tpu.memory_space<vmem>> -> memref<1x128xi32, #tpu.memory_space<vmem>>
      %dma_start3A_162 = tpu.memref_squeeze %dma_start3A_161 : memref<1x128xi32, #tpu.memory_space<vmem>> -> memref<128xi32, #tpu.memory_space<vmem>>
      %dma_start3A_163 = arith.constant 0 : i32
      %dma_start3A_164 = arith.constant 0 : i32
      %dma_start3A_165 = tpu.memref_slice %arg10[%dma_start3A_163, %dma_start3A_164] : memref<10112x64xf32, #tpu.memory_space<vmem_shared>> -> memref<10112x64xf32, #tpu.memory_space<vmem_shared>>
      tpu.enqueue_indirect_dma source(%dma_start3A_159 : memref<128x64xf32, #tpu.memory_space<vmem>>) target(%dma_start3A_165 : memref<10112x64xf32, #tpu.memory_space<vmem_shared>>) offsets(%dma_start3A_162 : memref<128xi32, #tpu.memory_space<vmem>>) semaphore(%arg12 : memref<!tpu.dma_semaphore, #tpu.memory_space<semaphore_mem>>) {add = true}
      %mul3A_166 = arith.constant 4 : i32
      %mul3A_167 = arith.muli %scan3A_53, %mul3A_166 : i32
      %add3A_168 = arith.constant 2 : i32
      %add3A_169 = arith.addi %mul3A_167, %add3A_168 : i32
      %dma_start3A_170 = arith.constant 256 : i32
      %dma_start3A_171 = arith.constant 0 : i32
      %dma_start3A_172 = tpu.memref_slice %arg9[%dma_start3A_170, %dma_start3A_171] : memref<512x64xf32, #tpu.memory_space<vmem>> -> memref<128x64xf32, #tpu.memory_space<vmem>>
      %dma_start3A_173 = arith.constant 0 : i32
      %dma_start3A_174 = tpu.memref_slice %arg8[%add3A_169, %dma_start3A_173] : memref<80x128xi32, #tpu.memory_space<vmem>> -> memref<1x128xi32, #tpu.memory_space<vmem>>
      %dma_start3A_175 = tpu.memref_squeeze %dma_start3A_174 : memref<1x128xi32, #tpu.memory_space<vmem>> -> memref<128xi32, #tpu.memory_space<vmem>>
      %dma_start3A_176 = arith.constant 0 : i32
      %dma_start3A_177 = arith.constant 0 : i32
      %dma_start3A_178 = tpu.memref_slice %arg10[%dma_start3A_176, %dma_start3A_177] : memref<10112x64xf32, #tpu.memory_space<vmem_shared>> -> memref<10112x64xf32, #tpu.memory_space<vmem_shared>>
      tpu.enqueue_indirect_dma source(%dma_start3A_172 : memref<128x64xf32, #tpu.memory_space<vmem>>) target(%dma_start3A_178 : memref<10112x64xf32, #tpu.memory_space<vmem_shared>>) offsets(%dma_start3A_175 : memref<128xi32, #tpu.memory_space<vmem>>) semaphore(%arg12 : memref<!tpu.dma_semaphore, #tpu.memory_space<semaphore_mem>>) {add = true}
      %mul3A_179 = arith.constant 4 : i32
      %mul3A_180 = arith.muli %scan3A_53, %mul3A_179 : i32
      %add3A_181 = arith.constant 3 : i32
      %add3A_182 = arith.addi %mul3A_180, %add3A_181 : i32
      %dma_start3A_183 = arith.constant 384 : i32
      %dma_start3A_184 = arith.constant 0 : i32
      %dma_start3A_185 = tpu.memref_slice %arg9[%dma_start3A_183, %dma_start3A_184] : memref<512x64xf32, #tpu.memory_space<vmem>> -> memref<128x64xf32, #tpu.memory_space<vmem>>
      %dma_start3A_186 = arith.constant 0 : i32
      %dma_start3A_187 = tpu.memref_slice %arg8[%add3A_182, %dma_start3A_186] : memref<80x128xi32, #tpu.memory_space<vmem>> -> memref<1x128xi32, #tpu.memory_space<vmem>>
      %dma_start3A_188 = tpu.memref_squeeze %dma_start3A_187 : memref<1x128xi32, #tpu.memory_space<vmem>> -> memref<128xi32, #tpu.memory_space<vmem>>
      %dma_start3A_189 = arith.constant 0 : i32
      %dma_start3A_190 = arith.constant 0 : i32
      %dma_start3A_191 = tpu.memref_slice %arg10[%dma_start3A_189, %dma_start3A_190] : memref<10112x64xf32, #tpu.memory_space<vmem_shared>> -> memref<10112x64xf32, #tpu.memory_space<vmem_shared>>
      tpu.enqueue_indirect_dma source(%dma_start3A_185 : memref<128x64xf32, #tpu.memory_space<vmem>>) target(%dma_start3A_191 : memref<10112x64xf32, #tpu.memory_space<vmem_shared>>) offsets(%dma_start3A_188 : memref<128xi32, #tpu.memory_space<vmem>>) semaphore(%arg12 : memref<!tpu.dma_semaphore, #tpu.memory_space<semaphore_mem>>) {add = true}
      %dma_wait3A_192 = arith.constant 0 : i32
      %dma_wait3A_193 = arith.constant 0 : i32
      %dma_wait3A_194 = tpu.memref_slice %arg9[%dma_wait3A_192, %dma_wait3A_193] : memref<512x64xf32, #tpu.memory_space<vmem>> -> memref<128x64xf32, #tpu.memory_space<vmem>>
      %dma_wait3A_195 = arith.constant 0 : i32
      %dma_wait3A_196 = tpu.memref_slice %arg8[%add3A_143, %dma_wait3A_195] : memref<80x128xi32, #tpu.memory_space<vmem>> -> memref<1x128xi32, #tpu.memory_space<vmem>>
      %dma_wait3A_197 = tpu.memref_squeeze %dma_wait3A_196 : memref<1x128xi32, #tpu.memory_space<vmem>> -> memref<128xi32, #tpu.memory_space<vmem>>
      %dma_wait3A_198 = arith.constant 0 : i32
      %dma_wait3A_199 = arith.constant 0 : i32
      %dma_wait3A_200 = tpu.memref_slice %arg10[%dma_wait3A_198, %dma_wait3A_199] : memref<10112x64xf32, #tpu.memory_space<vmem_shared>> -> memref<10112x64xf32, #tpu.memory_space<vmem_shared>>
      tpu.wait_indirect_dma semaphore(%arg12 : memref<!tpu.dma_semaphore, #tpu.memory_space<semaphore_mem>>) src(%dma_wait3A_194 : memref<128x64xf32, #tpu.memory_space<vmem>>) dst(%dma_wait3A_200 : memref<10112x64xf32, #tpu.memory_space<vmem_shared>>)
      %dma_wait3A_201 = arith.constant 128 : i32
      %dma_wait3A_202 = arith.constant 0 : i32
      %dma_wait3A_203 = tpu.memref_slice %arg9[%dma_wait3A_201, %dma_wait3A_202] : memref<512x64xf32, #tpu.memory_space<vmem>> -> memref<128x64xf32, #tpu.memory_space<vmem>>
      %dma_wait3A_204 = arith.constant 0 : i32
      %dma_wait3A_205 = tpu.memref_slice %arg8[%add3A_156, %dma_wait3A_204] : memref<80x128xi32, #tpu.memory_space<vmem>> -> memref<1x128xi32, #tpu.memory_space<vmem>>
      %dma_wait3A_206 = tpu.memref_squeeze %dma_wait3A_205 : memref<1x128xi32, #tpu.memory_space<vmem>> -> memref<128xi32, #tpu.memory_space<vmem>>
      %dma_wait3A_207 = arith.constant 0 : i32
      %dma_wait3A_208 = arith.constant 0 : i32
      %dma_wait3A_209 = tpu.memref_slice %arg10[%dma_wait3A_207, %dma_wait3A_208] : memref<10112x64xf32, #tpu.memory_space<vmem_shared>> -> memref<10112x64xf32, #tpu.memory_space<vmem_shared>>
      tpu.wait_indirect_dma semaphore(%arg12 : memref<!tpu.dma_semaphore, #tpu.memory_space<semaphore_mem>>) src(%dma_wait3A_203 : memref<128x64xf32, #tpu.memory_space<vmem>>) dst(%dma_wait3A_209 : memref<10112x64xf32, #tpu.memory_space<vmem_shared>>)
      %dma_wait3A_210 = arith.constant 256 : i32
      %dma_wait3A_211 = arith.constant 0 : i32
      %dma_wait3A_212 = tpu.memref_slice %arg9[%dma_wait3A_210, %dma_wait3A_211] : memref<512x64xf32, #tpu.memory_space<vmem>> -> memref<128x64xf32, #tpu.memory_space<vmem>>
      %dma_wait3A_213 = arith.constant 0 : i32
      %dma_wait3A_214 = tpu.memref_slice %arg8[%add3A_169, %dma_wait3A_213] : memref<80x128xi32, #tpu.memory_space<vmem>> -> memref<1x128xi32, #tpu.memory_space<vmem>>
      %dma_wait3A_215 = tpu.memref_squeeze %dma_wait3A_214 : memref<1x128xi32, #tpu.memory_space<vmem>> -> memref<128xi32, #tpu.memory_space<vmem>>
      %dma_wait3A_216 = arith.constant 0 : i32
      %dma_wait3A_217 = arith.constant 0 : i32
      %dma_wait3A_218 = tpu.memref_slice %arg10[%dma_wait3A_216, %dma_wait3A_217] : memref<10112x64xf32, #tpu.memory_space<vmem_shared>> -> memref<10112x64xf32, #tpu.memory_space<vmem_shared>>
      tpu.wait_indirect_dma semaphore(%arg12 : memref<!tpu.dma_semaphore, #tpu.memory_space<semaphore_mem>>) src(%dma_wait3A_212 : memref<128x64xf32, #tpu.memory_space<vmem>>) dst(%dma_wait3A_218 : memref<10112x64xf32, #tpu.memory_space<vmem_shared>>)
      %dma_wait3A_219 = arith.constant 384 : i32
      %dma_wait3A_220 = arith.constant 0 : i32
      %dma_wait3A_221 = tpu.memref_slice %arg9[%dma_wait3A_219, %dma_wait3A_220] : memref<512x64xf32, #tpu.memory_space<vmem>> -> memref<128x64xf32, #tpu.memory_space<vmem>>
      %dma_wait3A_222 = arith.constant 0 : i32
      %dma_wait3A_223 = tpu.memref_slice %arg8[%add3A_182, %dma_wait3A_222] : memref<80x128xi32, #tpu.memory_space<vmem>> -> memref<1x128xi32, #tpu.memory_space<vmem>>
      %dma_wait3A_224 = tpu.memref_squeeze %dma_wait3A_223 : memref<1x128xi32, #tpu.memory_space<vmem>> -> memref<128xi32, #tpu.memory_space<vmem>>
      %dma_wait3A_225 = arith.constant 0 : i32
      %dma_wait3A_226 = arith.constant 0 : i32
      %dma_wait3A_227 = tpu.memref_slice %arg10[%dma_wait3A_225, %dma_wait3A_226] : memref<10112x64xf32, #tpu.memory_space<vmem_shared>> -> memref<10112x64xf32, #tpu.memory_space<vmem_shared>>
      tpu.wait_indirect_dma semaphore(%arg12 : memref<!tpu.dma_semaphore, #tpu.memory_space<semaphore_mem>>) src(%dma_wait3A_221 : memref<128x64xf32, #tpu.memory_space<vmem>>) dst(%dma_wait3A_227 : memref<10112x64xf32, #tpu.memory_space<vmem_shared>>)
    }
    %scan3A_23 = arith.constant 20 : i32
    %barrier3A_24 = arith.constant 0 : index
    tpu.barrier barrier_id(%barrier3A_24)
    %add3A_25 = arith.constant 0 : i32
    %add3A_26 = arith.addi %add3A_25, %arg0 : i32
    "tpu.region"() ({
      %run_scoped3A = tpu.sem_alloc : memref<!tpu.dma_semaphore, #tpu.memory_space<semaphore_mem>>
      %dma_start3A = arith.constant 0 : i32
      %dma_start3A_53 = tpu.memref_slice %arg6[%add3A_26, %mul3A_2, %dma_start3A] : memref<4x10112x64xf32, #tpu.memory_space<hbm>> -> memref<1x632x64xf32, #tpu.memory_space<hbm>>
      %dma_start3A_54 = tpu.memref_squeeze %dma_start3A_53 : memref<1x632x64xf32, #tpu.memory_space<hbm>> -> memref<632x64xf32, #tpu.memory_space<hbm>>
      %dma_start3A_55 = arith.constant 0 : i32
      %dma_start3A_56 = tpu.memref_slice %arg10[%mul3A_2, %dma_start3A_55] : memref<10112x64xf32, #tpu.memory_space<vmem_shared>> -> memref<632x64xf32, #tpu.memory_space<vmem_shared>>
      tpu.enqueue_dma source(%dma_start3A_56 : memref<632x64xf32, #tpu.memory_space<vmem_shared>>) target(%dma_start3A_54 : memref<632x64xf32, #tpu.memory_space<hbm>>) target_semaphore(%run_scoped3A : memref<!tpu.dma_semaphore, #tpu.memory_space<semaphore_mem>>)
      %dma_wait3A = arith.constant 0 : i32
      %dma_wait3A_57 = tpu.memref_slice %arg6[%add3A_26, %mul3A_2, %dma_wait3A] : memref<4x10112x64xf32, #tpu.memory_space<hbm>> -> memref<1x632x64xf32, #tpu.memory_space<hbm>>
      %dma_wait3A_58 = tpu.memref_squeeze %dma_wait3A_57 : memref<1x632x64xf32, #tpu.memory_space<hbm>> -> memref<632x64xf32, #tpu.memory_space<hbm>>
      %dma_wait3A_59 = arith.constant 0 : i32
      %dma_wait3A_60 = tpu.memref_slice %arg10[%mul3A_2, %dma_wait3A_59] : memref<10112x64xf32, #tpu.memory_space<vmem_shared>> -> memref<632x64xf32, #tpu.memory_space<vmem_shared>>
      tpu.wait_dma2 semaphore(%run_scoped3A : memref<!tpu.dma_semaphore, #tpu.memory_space<semaphore_mem>>) src(%dma_wait3A_60 : memref<632x64xf32, #tpu.memory_space<vmem_shared>>) dst(%dma_wait3A_58 : memref<632x64xf32, #tpu.memory_space<hbm>>)
      tpu.yield
    }) : () -> ()
    %scan3A_27 = arith.constant 0 : i32
    %scan3A_28 = arith.constant 0 : i32
    %scan3A_29 = arith.constant 128 : i32
    %scan3A_30 = arith.addi %scan3A_28, %scan3A_29 : i32
    %scan3A_31 = arith.constant 1 : i32
    scf.for %scan3A_53 = %scan3A_28 to %scan3A_30 step %scan3A_31  : i32 {
      %broadcast_in_dim3A = arith.constant 0.000000e+00 : f32
      %broadcast_in_dim3A_54 = vector.broadcast %broadcast_in_dim3A : f32 to vector<16xf32>
      %swap3A = arith.index_cast %scan3A_53 : i32 to index
      %swap3A_55 = arith.constant 0 : index
      %swap3A_56 = tpu.vector_load %arg9[%swap3A, %swap3A_55] {strides = array<i32>} : memref<512x64xf32, #tpu.memory_space<vmem>>, vector<1x16xf32>,
      %swap3A_57 = vector.shape_cast %swap3A_56 : vector<1x16xf32> to vector<16xf32>
      %swap3A_58 = vector.shape_cast %broadcast_in_dim3A_54 : vector<16xf32> to vector<1x16xf32>
      tpu.vector_store %arg9[%swap3A, %swap3A_55], %swap3A_58 {strides = array<i32>} : memref<512x64xf32, #tpu.memory_space<vmem>>, vector<1x16xf32>,
      %broadcast_in_dim3A_59 = arith.constant 0.000000e+00 : f32
      %broadcast_in_dim3A_60 = vector.broadcast %broadcast_in_dim3A_59 : f32 to vector<16xf32>
      %swap3A_61 = arith.index_cast %scan3A_53 : i32 to index
      %swap3A_62 = arith.constant 16 : index
      %swap3A_63 = tpu.vector_load %arg9[%swap3A_61, %swap3A_62] {strides = array<i32>} : memref<512x64xf32, #tpu.memory_space<vmem>>, vector<1x16xf32>,
      %swap3A_64 = vector.shape_cast %swap3A_63 : vector<1x16xf32> to vector<16xf32>
      %swap3A_65 = vector.shape_cast %broadcast_in_dim3A_60 : vector<16xf32> to vector<1x16xf32>
      tpu.vector_store %arg9[%swap3A_61, %swap3A_62], %swap3A_65 {strides = array<i32>} : memref<512x64xf32, #tpu.memory_space<vmem>>, vector<1x16xf32>,
      %broadcast_in_dim3A_66 = arith.constant 0.000000e+00 : f32
      %broadcast_in_dim3A_67 = vector.broadcast %broadcast_in_dim3A_66 : f32 to vector<16xf32>
      %swap3A_68 = arith.index_cast %scan3A_53 : i32 to index
      %swap3A_69 = arith.constant 32 : index
      %swap3A_70 = tpu.vector_load %arg9[%swap3A_68, %swap3A_69] {strides = array<i32>} : memref<512x64xf32, #tpu.memory_space<vmem>>, vector<1x16xf32>,
      %swap3A_71 = vector.shape_cast %swap3A_70 : vector<1x16xf32> to vector<16xf32>
      %swap3A_72 = vector.shape_cast %broadcast_in_dim3A_67 : vector<16xf32> to vector<1x16xf32>
      tpu.vector_store %arg9[%swap3A_68, %swap3A_69], %swap3A_72 {strides = array<i32>} : memref<512x64xf32, #tpu.memory_space<vmem>>, vector<1x16xf32>,
      %broadcast_in_dim3A_73 = arith.constant 0.000000e+00 : f32
      %broadcast_in_dim3A_74 = vector.broadcast %broadcast_in_dim3A_73 : f32 to vector<16xf32>
      %swap3A_75 = arith.index_cast %scan3A_53 : i32 to index
      %swap3A_76 = arith.constant 48 : index
      %swap3A_77 = tpu.vector_load %arg9[%swap3A_75, %swap3A_76] {strides = array<i32>} : memref<512x64xf32, #tpu.memory_space<vmem>>, vector<1x16xf32>,
      %swap3A_78 = vector.shape_cast %swap3A_77 : vector<1x16xf32> to vector<16xf32>
      %swap3A_79 = vector.shape_cast %broadcast_in_dim3A_74 : vector<16xf32> to vector<1x16xf32>
      tpu.vector_store %arg9[%swap3A_75, %swap3A_76], %swap3A_79 {strides = array<i32>} : memref<512x64xf32, #tpu.memory_space<vmem>>, vector<1x16xf32>,
    }
    %scan3A_32 = arith.constant 128 : i32
    %add3A_33 = arith.constant 0 : i32
    %add3A_34 = arith.addi %mul3A_2, %add3A_33 : i32
    "tpu.region"() ({
      %run_scoped3A = tpu.sem_alloc : memref<!tpu.dma_semaphore, #tpu.memory_space<semaphore_mem>>
      %dma_start3A = arith.constant 0 : i32
      %dma_start3A_53 = arith.constant 0 : i32
      %dma_start3A_54 = tpu.memref_slice %arg9[%dma_start3A, %dma_start3A_53] : memref<512x64xf32, #tpu.memory_space<vmem>> -> memref<128x64xf32, #tpu.memory_space<vmem>>
      %dma_start3A_55 = arith.constant 0 : i32
      %dma_start3A_56 = tpu.memref_slice %arg10[%add3A_34, %dma_start3A_55] : memref<10112x64xf32, #tpu.memory_space<vmem_shared>> -> memref<128x64xf32, #tpu.memory_space<vmem_shared>>
      %dma_start3A_57 = arith.constant 0 : i32
      %dma_start3A_58 = tpu.memref_slice %arg10[%add3A_34, %dma_start3A_57] : memref<10112x64xf32, #tpu.memory_space<vmem_shared>> -> memref<128x64xf32, #tpu.memory_space<vmem_shared>>
      %dma_start3A_59 = arith.constant 0 : i32
      %dma_start3A_60 = arith.constant 0 : i32
      %dma_start3A_61 = tpu.memref_slice %arg9[%dma_start3A_59, %dma_start3A_60] : memref<512x64xf32, #tpu.memory_space<vmem>> -> memref<128x64xf32, #tpu.memory_space<vmem>>
      tpu.enqueue_dma source(%dma_start3A_61 : memref<128x64xf32, #tpu.memory_space<vmem>>) target(%dma_start3A_58 : memref<128x64xf32, #tpu.memory_space<vmem_shared>>) target_semaphore(%run_scoped3A : memref<!tpu.dma_semaphore, #tpu.memory_space<semaphore_mem>>)
      %dma_wait3A = arith.constant 0 : i32
      %dma_wait3A_62 = arith.constant 0 : i32
      %dma_wait3A_63 = tpu.memref_slice %arg9[%dma_wait3A, %dma_wait3A_62] : memref<512x64xf32, #tpu.memory_space<vmem>> -> memref<128x64xf32, #tpu.memory_space<vmem>>
      %dma_wait3A_64 = arith.constant 0 : i32
      %dma_wait3A_65 = tpu.memref_slice %arg10[%add3A_34, %dma_wait3A_64] : memref<10112x64xf32, #tpu.memory_space<vmem_shared>> -> memref<128x64xf32, #tpu.memory_space<vmem_shared>>
      %dma_wait3A_66 = arith.constant 0 : i32
      %dma_wait3A_67 = tpu.memref_slice %arg10[%add3A_34, %dma_wait3A_66] : memref<10112x64xf32, #tpu.memory_space<vmem_shared>> -> memref<128x64xf32, #tpu.memory_space<vmem_shared>>
      %dma_wait3A_68 = arith.constant 0 : i32
      %dma_wait3A_69 = arith.constant 0 : i32
      %dma_wait3A_70 = tpu.memref_slice %arg9[%dma_wait3A_68, %dma_wait3A_69] : memref<512x64xf32, #tpu.memory_space<vmem>> -> memref<128x64xf32, #tpu.memory_space<vmem>>
      tpu.wait_dma2 semaphore(%run_scoped3A : memref<!tpu.dma_semaphore, #tpu.memory_space<semaphore_mem>>) src(%dma_wait3A_70 : memref<128x64xf32, #tpu.memory_space<vmem>>) dst(%dma_wait3A_67 : memref<128x64xf32, #tpu.memory_space<vmem_shared>>)
      tpu.yield
    }) : () -> ()
    %add3A_35 = arith.constant 128 : i32
    %add3A_36 = arith.addi %mul3A_2, %add3A_35 : i32
    "tpu.region"() ({
      %run_scoped3A = tpu.sem_alloc : memref<!tpu.dma_semaphore, #tpu.memory_space<semaphore_mem>>
      %dma_start3A = arith.constant 0 : i32
      %dma_start3A_53 = arith.constant 0 : i32
      %dma_start3A_54 = tpu.memref_slice %arg9[%dma_start3A, %dma_start3A_53] : memref<512x64xf32, #tpu.memory_space<vmem>> -> memref<128x64xf32, #tpu.memory_space<vmem>>
      %dma_start3A_55 = arith.constant 0 : i32
      %dma_start3A_56 = tpu.memref_slice %arg10[%add3A_36, %dma_start3A_55] : memref<10112x64xf32, #tpu.memory_space<vmem_shared>> -> memref<128x64xf32, #tpu.memory_space<vmem_shared>>
      %dma_start3A_57 = arith.constant 0 : i32
      %dma_start3A_58 = tpu.memref_slice %arg10[%add3A_36, %dma_start3A_57] : memref<10112x64xf32, #tpu.memory_space<vmem_shared>> -> memref<128x64xf32, #tpu.memory_space<vmem_shared>>
      %dma_start3A_59 = arith.constant 0 : i32
      %dma_start3A_60 = arith.constant 0 : i32
      %dma_start3A_61 = tpu.memref_slice %arg9[%dma_start3A_59, %dma_start3A_60] : memref<512x64xf32, #tpu.memory_space<vmem>> -> memref<128x64xf32, #tpu.memory_space<vmem>>
      tpu.enqueue_dma source(%dma_start3A_61 : memref<128x64xf32, #tpu.memory_space<vmem>>) target(%dma_start3A_58 : memref<128x64xf32, #tpu.memory_space<vmem_shared>>) target_semaphore(%run_scoped3A : memref<!tpu.dma_semaphore, #tpu.memory_space<semaphore_mem>>)
      %dma_wait3A = arith.constant 0 : i32
      %dma_wait3A_62 = arith.constant 0 : i32
      %dma_wait3A_63 = tpu.memref_slice %arg9[%dma_wait3A, %dma_wait3A_62] : memref<512x64xf32, #tpu.memory_space<vmem>> -> memref<128x64xf32, #tpu.memory_space<vmem>>
      %dma_wait3A_64 = arith.constant 0 : i32
      %dma_wait3A_65 = tpu.memref_slice %arg10[%add3A_36, %dma_wait3A_64] : memref<10112x64xf32, #tpu.memory_space<vmem_shared>> -> memref<128x64xf32, #tpu.memory_space<vmem_shared>>
      %dma_wait3A_66 = arith.constant 0 : i32
      %dma_wait3A_67 = tpu.memref_slice %arg10[%add3A_36, %dma_wait3A_66] : memref<10112x64xf32, #tpu.memory_space<vmem_shared>> -> memref<128x64xf32, #tpu.memory_space<vmem_shared>>
      %dma_wait3A_68 = arith.constant 0 : i32
      %dma_wait3A_69 = arith.constant 0 : i32
      %dma_wait3A_70 = tpu.memref_slice %arg9[%dma_wait3A_68, %dma_wait3A_69] : memref<512x64xf32, #tpu.memory_space<vmem>> -> memref<128x64xf32, #tpu.memory_space<vmem>>
      tpu.wait_dma2 semaphore(%run_scoped3A : memref<!tpu.dma_semaphore, #tpu.memory_space<semaphore_mem>>) src(%dma_wait3A_70 : memref<128x64xf32, #tpu.memory_space<vmem>>) dst(%dma_wait3A_67 : memref<128x64xf32, #tpu.memory_space<vmem_shared>>)
      tpu.yield
    }) : () -> ()
    %add3A_37 = arith.constant 256 : i32
    %add3A_38 = arith.addi %mul3A_2, %add3A_37 : i32
    "tpu.region"() ({
      %run_scoped3A = tpu.sem_alloc : memref<!tpu.dma_semaphore, #tpu.memory_space<semaphore_mem>>
      %dma_start3A = arith.constant 0 : i32
      %dma_start3A_53 = arith.constant 0 : i32
      %dma_start3A_54 = tpu.memref_slice %arg9[%dma_start3A, %dma_start3A_53] : memref<512x64xf32, #tpu.memory_space<vmem>> -> memref<128x64xf32, #tpu.memory_space<vmem>>
      %dma_start3A_55 = arith.constant 0 : i32
      %dma_start3A_56 = tpu.memref_slice %arg10[%add3A_38, %dma_start3A_55] : memref<10112x64xf32, #tpu.memory_space<vmem_shared>> -> memref<128x64xf32, #tpu.memory_space<vmem_shared>>
      %dma_start3A_57 = arith.constant 0 : i32
      %dma_start3A_58 = tpu.memref_slice %arg10[%add3A_38, %dma_start3A_57] : memref<10112x64xf32, #tpu.memory_space<vmem_shared>> -> memref<128x64xf32, #tpu.memory_space<vmem_shared>>
      %dma_start3A_59 = arith.constant 0 : i32
      %dma_start3A_60 = arith.constant 0 : i32
      %dma_start3A_61 = tpu.memref_slice %arg9[%dma_start3A_59, %dma_start3A_60] : memref<512x64xf32, #tpu.memory_space<vmem>> -> memref<128x64xf32, #tpu.memory_space<vmem>>
      tpu.enqueue_dma source(%dma_start3A_61 : memref<128x64xf32, #tpu.memory_space<vmem>>) target(%dma_start3A_58 : memref<128x64xf32, #tpu.memory_space<vmem_shared>>) target_semaphore(%run_scoped3A : memref<!tpu.dma_semaphore, #tpu.memory_space<semaphore_mem>>)
      %dma_wait3A = arith.constant 0 : i32
      %dma_wait3A_62 = arith.constant 0 : i32
      %dma_wait3A_63 = tpu.memref_slice %arg9[%dma_wait3A, %dma_wait3A_62] : memref<512x64xf32, #tpu.memory_space<vmem>> -> memref<128x64xf32, #tpu.memory_space<vmem>>
      %dma_wait3A_64 = arith.constant 0 : i32
      %dma_wait3A_65 = tpu.memref_slice %arg10[%add3A_38, %dma_wait3A_64] : memref<10112x64xf32, #tpu.memory_space<vmem_shared>> -> memref<128x64xf32, #tpu.memory_space<vmem_shared>>
      %dma_wait3A_66 = arith.constant 0 : i32
      %dma_wait3A_67 = tpu.memref_slice %arg10[%add3A_38, %dma_wait3A_66] : memref<10112x64xf32, #tpu.memory_space<vmem_shared>> -> memref<128x64xf32, #tpu.memory_space<vmem_shared>>
      %dma_wait3A_68 = arith.constant 0 : i32
      %dma_wait3A_69 = arith.constant 0 : i32
      %dma_wait3A_70 = tpu.memref_slice %arg9[%dma_wait3A_68, %dma_wait3A_69] : memref<512x64xf32, #tpu.memory_space<vmem>> -> memref<128x64xf32, #tpu.memory_space<vmem>>
      tpu.wait_dma2 semaphore(%run_scoped3A : memref<!tpu.dma_semaphore, #tpu.memory_space<semaphore_mem>>) src(%dma_wait3A_70 : memref<128x64xf32, #tpu.memory_space<vmem>>) dst(%dma_wait3A_67 : memref<128x64xf32, #tpu.memory_space<vmem_shared>>)
      tpu.yield
    }) : () -> ()
    %add3A_39 = arith.constant 384 : i32
    %add3A_40 = arith.addi %mul3A_2, %add3A_39 : i32
    "tpu.region"() ({
      %run_scoped3A = tpu.sem_alloc : memref<!tpu.dma_semaphore, #tpu.memory_space<semaphore_mem>>
      %dma_start3A = arith.constant 0 : i32
      %dma_start3A_53 = arith.constant 0 : i32
      %dma_start3A_54 = tpu.memref_slice %arg9[%dma_start3A, %dma_start3A_53] : memref<512x64xf32, #tpu.memory_space<vmem>> -> memref<128x64xf32, #tpu.memory_space<vmem>>
      %dma_start3A_55 = arith.constant 0 : i32
      %dma_start3A_56 = tpu.memref_slice %arg10[%add3A_40, %dma_start3A_55] : memref<10112x64xf32, #tpu.memory_space<vmem_shared>> -> memref<128x64xf32, #tpu.memory_space<vmem_shared>>
      %dma_start3A_57 = arith.constant 0 : i32
      %dma_start3A_58 = tpu.memref_slice %arg10[%add3A_40, %dma_start3A_57] : memref<10112x64xf32, #tpu.memory_space<vmem_shared>> -> memref<128x64xf32, #tpu.memory_space<vmem_shared>>
      %dma_start3A_59 = arith.constant 0 : i32
      %dma_start3A_60 = arith.constant 0 : i32
      %dma_start3A_61 = tpu.memref_slice %arg9[%dma_start3A_59, %dma_start3A_60] : memref<512x64xf32, #tpu.memory_space<vmem>> -> memref<128x64xf32, #tpu.memory_space<vmem>>
      tpu.enqueue_dma source(%dma_start3A_61 : memref<128x64xf32, #tpu.memory_space<vmem>>) target(%dma_start3A_58 : memref<128x64xf32, #tpu.memory_space<vmem_shared>>) target_semaphore(%run_scoped3A : memref<!tpu.dma_semaphore, #tpu.memory_space<semaphore_mem>>)
      %dma_wait3A = arith.constant 0 : i32
      %dma_wait3A_62 = arith.constant 0 : i32
      %dma_wait3A_63 = tpu.memref_slice %arg9[%dma_wait3A, %dma_wait3A_62] : memref<512x64xf32, #tpu.memory_space<vmem>> -> memref<128x64xf32, #tpu.memory_space<vmem>>
      %dma_wait3A_64 = arith.constant 0 : i32
      %dma_wait3A_65 = tpu.memref_slice %arg10[%add3A_40, %dma_wait3A_64] : memref<10112x64xf32, #tpu.memory_space<vmem_shared>> -> memref<128x64xf32, #tpu.memory_space<vmem_shared>>
      %dma_wait3A_66 = arith.constant 0 : i32
      %dma_wait3A_67 = tpu.memref_slice %arg10[%add3A_40, %dma_wait3A_66] : memref<10112x64xf32, #tpu.memory_space<vmem_shared>> -> memref<128x64xf32, #tpu.memory_space<vmem_shared>>
      %dma_wait3A_68 = arith.constant 0 : i32
      %dma_wait3A_69 = arith.constant 0 : i32
      %dma_wait3A_70 = tpu.memref_slice %arg9[%dma_wait3A_68, %dma_wait3A_69] : memref<512x64xf32, #tpu.memory_space<vmem>> -> memref<128x64xf32, #tpu.memory_space<vmem>>
      tpu.wait_dma2 semaphore(%run_scoped3A : memref<!tpu.dma_semaphore, #tpu.memory_space<semaphore_mem>>) src(%dma_wait3A_70 : memref<128x64xf32, #tpu.memory_space<vmem>>) dst(%dma_wait3A_67 : memref<128x64xf32, #tpu.memory_space<vmem_shared>>)
      tpu.yield
    }) : () -> ()
    %add3A_41 = arith.constant 512 : i32
    %add3A_42 = arith.addi %mul3A_2, %add3A_41 : i32
    "tpu.region"() ({
      %run_scoped3A = tpu.sem_alloc : memref<!tpu.dma_semaphore, #tpu.memory_space<semaphore_mem>>
      %dma_start3A = arith.constant 0 : i32
      %dma_start3A_53 = arith.constant 0 : i32
      %dma_start3A_54 = tpu.memref_slice %arg9[%dma_start3A, %dma_start3A_53] : memref<512x64xf32, #tpu.memory_space<vmem>> -> memref<120x64xf32, #tpu.memory_space<vmem>>
      %dma_start3A_55 = arith.constant 0 : i32
      %dma_start3A_56 = tpu.memref_slice %arg10[%add3A_42, %dma_start3A_55] : memref<10112x64xf32, #tpu.memory_space<vmem_shared>> -> memref<120x64xf32, #tpu.memory_space<vmem_shared>>
      %dma_start3A_57 = arith.constant 0 : i32
      %dma_start3A_58 = tpu.memref_slice %arg10[%add3A_42, %dma_start3A_57] : memref<10112x64xf32, #tpu.memory_space<vmem_shared>> -> memref<120x64xf32, #tpu.memory_space<vmem_shared>>
      %dma_start3A_59 = arith.constant 0 : i32
      %dma_start3A_60 = arith.constant 0 : i32
      %dma_start3A_61 = tpu.memref_slice %arg9[%dma_start3A_59, %dma_start3A_60] : memref<512x64xf32, #tpu.memory_space<vmem>> -> memref<120x64xf32, #tpu.memory_space<vmem>>
      tpu.enqueue_dma source(%dma_start3A_61 : memref<120x64xf32, #tpu.memory_space<vmem>>) target(%dma_start3A_58 : memref<120x64xf32, #tpu.memory_space<vmem_shared>>) target_semaphore(%run_scoped3A : memref<!tpu.dma_semaphore, #tpu.memory_space<semaphore_mem>>)
      %dma_wait3A = arith.constant 0 : i32
      %dma_wait3A_62 = arith.constant 0 : i32
      %dma_wait3A_63 = tpu.memref_slice %arg9[%dma_wait3A, %dma_wait3A_62] : memref<512x64xf32, #tpu.memory_space<vmem>> -> memref<120x64xf32, #tpu.memory_space<vmem>>
      %dma_wait3A_64 = arith.constant 0 : i32
      %dma_wait3A_65 = tpu.memref_slice %arg10[%add3A_42, %dma_wait3A_64] : memref<10112x64xf32, #tpu.memory_space<vmem_shared>> -> memref<120x64xf32, #tpu.memory_space<vmem_shared>>
      %dma_wait3A_66 = arith.constant 0 : i32
      %dma_wait3A_67 = tpu.memref_slice %arg10[%add3A_42, %dma_wait3A_66] : memref<10112x64xf32, #tpu.memory_space<vmem_shared>> -> memref<120x64xf32, #tpu.memory_space<vmem_shared>>
      %dma_wait3A_68 = arith.constant 0 : i32
      %dma_wait3A_69 = arith.constant 0 : i32
      %dma_wait3A_70 = tpu.memref_slice %arg9[%dma_wait3A_68, %dma_wait3A_69] : memref<512x64xf32, #tpu.memory_space<vmem>> -> memref<120x64xf32, #tpu.memory_space<vmem>>
      tpu.wait_dma2 semaphore(%run_scoped3A : memref<!tpu.dma_semaphore, #tpu.memory_space<semaphore_mem>>) src(%dma_wait3A_70 : memref<120x64xf32, #tpu.memory_space<vmem>>) dst(%dma_wait3A_67 : memref<120x64xf32, #tpu.memory_space<vmem_shared>>)
      tpu.yield
    }) : () -> ()
    %barrier3A_43 = arith.constant 0 : index
    tpu.barrier barrier_id(%barrier3A_43)
    %scan3A_44 = arith.constant 0 : i32
    %scan3A_45 = arith.constant 0 : i32
    %scan3A_46 = arith.constant 20 : i32
    %scan3A_47 = arith.addi %scan3A_45, %scan3A_46 : i32
    %scan3A_48 = arith.constant 1 : i32
    scf.for %scan3A_53 = %scan3A_45 to %scan3A_47 step %scan3A_48  : i32 {
      %mul3A_54 = arith.constant 4 : i32
      %mul3A_55 = arith.muli %scan3A_53, %mul3A_54 : i32
      %add3A_56 = arith.constant 0 : i32
      %add3A_57 = arith.addi %mul3A_55, %add3A_56 : i32
      %dma_start3A = arith.constant 0 : i32
      %dma_start3A_58 = arith.constant 0 : i32
      %dma_start3A_59 = tpu.memref_slice %arg9[%dma_start3A, %dma_start3A_58] : memref<512x64xf32, #tpu.memory_space<vmem>> -> memref<128x64xf32, #tpu.memory_space<vmem>>
      %dma_start3A_60 = arith.constant 0 : i32
      %dma_start3A_61 = tpu.memref_slice %arg7[%add3A_57, %dma_start3A_60] : memref<80x128xi32, #tpu.memory_space<vmem>> -> memref<1x128xi32, #tpu.memory_space<vmem>>
      %dma_start3A_62 = tpu.memref_squeeze %dma_start3A_61 : memref<1x128xi32, #tpu.memory_space<vmem>> -> memref<128xi32, #tpu.memory_space<vmem>>
      %dma_start3A_63 = arith.constant 0 : i32
      %dma_start3A_64 = arith.constant 0 : i32
      %dma_start3A_65 = tpu.memref_slice %arg3[%dma_start3A_63, %dma_start3A_64] : memref<10000x64xf32, #tpu.memory_space<hbm>> -> memref<10000x64xf32, #tpu.memory_space<hbm>>
      tpu.enqueue_indirect_dma source(%dma_start3A_65 : memref<10000x64xf32, #tpu.memory_space<hbm>>) target(%dma_start3A_59 : memref<128x64xf32, #tpu.memory_space<vmem>>) offsets(%dma_start3A_62 : memref<128xi32, #tpu.memory_space<vmem>>) semaphore(%arg11 : memref<!tpu.dma_semaphore, #tpu.memory_space<semaphore_mem>>)
      %mul3A_66 = arith.constant 4 : i32
      %mul3A_67 = arith.muli %scan3A_53, %mul3A_66 : i32
      %add3A_68 = arith.constant 1 : i32
      %add3A_69 = arith.addi %mul3A_67, %add3A_68 : i32
      %dma_start3A_70 = arith.constant 128 : i32
      %dma_start3A_71 = arith.constant 0 : i32
      %dma_start3A_72 = tpu.memref_slice %arg9[%dma_start3A_70, %dma_start3A_71] : memref<512x64xf32, #tpu.memory_space<vmem>> -> memref<128x64xf32, #tpu.memory_space<vmem>>
      %dma_start3A_73 = arith.constant 0 : i32
      %dma_start3A_74 = tpu.memref_slice %arg7[%add3A_69, %dma_start3A_73] : memref<80x128xi32, #tpu.memory_space<vmem>> -> memref<1x128xi32, #tpu.memory_space<vmem>>
      %dma_start3A_75 = tpu.memref_squeeze %dma_start3A_74 : memref<1x128xi32, #tpu.memory_space<vmem>> -> memref<128xi32, #tpu.memory_space<vmem>>
      %dma_start3A_76 = arith.constant 0 : i32
      %dma_start3A_77 = arith.constant 0 : i32
      %dma_start3A_78 = tpu.memref_slice %arg3[%dma_start3A_76, %dma_start3A_77] : memref<10000x64xf32, #tpu.memory_space<hbm>> -> memref<10000x64xf32, #tpu.memory_space<hbm>>
      tpu.enqueue_indirect_dma source(%dma_start3A_78 : memref<10000x64xf32, #tpu.memory_space<hbm>>) target(%dma_start3A_72 : memref<128x64xf32, #tpu.memory_space<vmem>>) offsets(%dma_start3A_75 : memref<128xi32, #tpu.memory_space<vmem>>) semaphore(%arg11 : memref<!tpu.dma_semaphore, #tpu.memory_space<semaphore_mem>>)
      %mul3A_79 = arith.constant 4 : i32
      %mul3A_80 = arith.muli %scan3A_53, %mul3A_79 : i32
      %add3A_81 = arith.constant 2 : i32
      %add3A_82 = arith.addi %mul3A_80, %add3A_81 : i32
      %dma_start3A_83 = arith.constant 256 : i32
      %dma_start3A_84 = arith.constant 0 : i32
      %dma_start3A_85 = tpu.memref_slice %arg9[%dma_start3A_83, %dma_start3A_84] : memref<512x64xf32, #tpu.memory_space<vmem>> -> memref<128x64xf32, #tpu.memory_space<vmem>>
      %dma_start3A_86 = arith.constant 0 : i32
      %dma_start3A_87 = tpu.memref_slice %arg7[%add3A_82, %dma_start3A_86] : memref<80x128xi32, #tpu.memory_space<vmem>> -> memref<1x128xi32, #tpu.memory_space<vmem>>
      %dma_start3A_88 = tpu.memref_squeeze %dma_start3A_87 : memref<1x128xi32, #tpu.memory_space<vmem>> -> memref<128xi32, #tpu.memory_space<vmem>>
      %dma_start3A_89 = arith.constant 0 : i32
      %dma_start3A_90 = arith.constant 0 : i32
      %dma_start3A_91 = tpu.memref_slice %arg3[%dma_start3A_89, %dma_start3A_90] : memref<10000x64xf32, #tpu.memory_space<hbm>> -> memref<10000x64xf32, #tpu.memory_space<hbm>>
      tpu.enqueue_indirect_dma source(%dma_start3A_91 : memref<10000x64xf32, #tpu.memory_space<hbm>>) target(%dma_start3A_85 : memref<128x64xf32, #tpu.memory_space<vmem>>) offsets(%dma_start3A_88 : memref<128xi32, #tpu.memory_space<vmem>>) semaphore(%arg11 : memref<!tpu.dma_semaphore, #tpu.memory_space<semaphore_mem>>)
      %mul3A_92 = arith.constant 4 : i32
      %mul3A_93 = arith.muli %scan3A_53, %mul3A_92 : i32
      %add3A_94 = arith.constant 3 : i32
      %add3A_95 = arith.addi %mul3A_93, %add3A_94 : i32
      %dma_start3A_96 = arith.constant 384 : i32
      %dma_start3A_97 = arith.constant 0 : i32
      %dma_start3A_98 = tpu.memref_slice %arg9[%dma_start3A_96, %dma_start3A_97] : memref<512x64xf32, #tpu.memory_space<vmem>> -> memref<128x64xf32, #tpu.memory_space<vmem>>
      %dma_start3A_99 = arith.constant 0 : i32
      %dma_start3A_100 = tpu.memref_slice %arg7[%add3A_95, %dma_start3A_99] : memref<80x128xi32, #tpu.memory_space<vmem>> -> memref<1x128xi32, #tpu.memory_space<vmem>>
      %dma_start3A_101 = tpu.memref_squeeze %dma_start3A_100 : memref<1x128xi32, #tpu.memory_space<vmem>> -> memref<128xi32, #tpu.memory_space<vmem>>
      %dma_start3A_102 = arith.constant 0 : i32
      %dma_start3A_103 = arith.constant 0 : i32
      %dma_start3A_104 = tpu.memref_slice %arg3[%dma_start3A_102, %dma_start3A_103] : memref<10000x64xf32, #tpu.memory_space<hbm>> -> memref<10000x64xf32, #tpu.memory_space<hbm>>
      tpu.enqueue_indirect_dma source(%dma_start3A_104 : memref<10000x64xf32, #tpu.memory_space<hbm>>) target(%dma_start3A_98 : memref<128x64xf32, #tpu.memory_space<vmem>>) offsets(%dma_start3A_101 : memref<128xi32, #tpu.memory_space<vmem>>) semaphore(%arg11 : memref<!tpu.dma_semaphore, #tpu.memory_space<semaphore_mem>>)
      %dma_wait3A = arith.constant 0 : i32
      %dma_wait3A_105 = arith.constant 0 : i32
      %dma_wait3A_106 = tpu.memref_slice %arg9[%dma_wait3A, %dma_wait3A_105] : memref<512x64xf32, #tpu.memory_space<vmem>> -> memref<128x64xf32, #tpu.memory_space<vmem>>
      %dma_wait3A_107 = arith.constant 0 : i32
      %dma_wait3A_108 = tpu.memref_slice %arg7[%add3A_57, %dma_wait3A_107] : memref<80x128xi32, #tpu.memory_space<vmem>> -> memref<1x128xi32, #tpu.memory_space<vmem>>
      %dma_wait3A_109 = tpu.memref_squeeze %dma_wait3A_108 : memref<1x128xi32, #tpu.memory_space<vmem>> -> memref<128xi32, #tpu.memory_space<vmem>>
      %dma_wait3A_110 = arith.constant 0 : i32
      %dma_wait3A_111 = arith.constant 0 : i32
      %dma_wait3A_112 = tpu.memref_slice %arg3[%dma_wait3A_110, %dma_wait3A_111] : memref<10000x64xf32, #tpu.memory_space<hbm>> -> memref<10000x64xf32, #tpu.memory_space<hbm>>
      tpu.wait_indirect_dma semaphore(%arg11 : memref<!tpu.dma_semaphore, #tpu.memory_space<semaphore_mem>>) src(%dma_wait3A_112 : memref<10000x64xf32, #tpu.memory_space<hbm>>) dst(%dma_wait3A_106 : memref<128x64xf32, #tpu.memory_space<vmem>>)
      %dma_wait3A_113 = arith.constant 128 : i32
      %dma_wait3A_114 = arith.constant 0 : i32
      %dma_wait3A_115 = tpu.memref_slice %arg9[%dma_wait3A_113, %dma_wait3A_114] : memref<512x64xf32, #tpu.memory_space<vmem>> -> memref<128x64xf32, #tpu.memory_space<vmem>>
      %dma_wait3A_116 = arith.constant 0 : i32
      %dma_wait3A_117 = tpu.memref_slice %arg7[%add3A_69, %dma_wait3A_116] : memref<80x128xi32, #tpu.memory_space<vmem>> -> memref<1x128xi32, #tpu.memory_space<vmem>>
      %dma_wait3A_118 = tpu.memref_squeeze %dma_wait3A_117 : memref<1x128xi32, #tpu.memory_space<vmem>> -> memref<128xi32, #tpu.memory_space<vmem>>
      %dma_wait3A_119 = arith.constant 0 : i32
      %dma_wait3A_120 = arith.constant 0 : i32
      %dma_wait3A_121 = tpu.memref_slice %arg3[%dma_wait3A_119, %dma_wait3A_120] : memref<10000x64xf32, #tpu.memory_space<hbm>> -> memref<10000x64xf32, #tpu.memory_space<hbm>>
      tpu.wait_indirect_dma semaphore(%arg11 : memref<!tpu.dma_semaphore, #tpu.memory_space<semaphore_mem>>) src(%dma_wait3A_121 : memref<10000x64xf32, #tpu.memory_space<hbm>>) dst(%dma_wait3A_115 : memref<128x64xf32, #tpu.memory_space<vmem>>)
      %dma_wait3A_122 = arith.constant 256 : i32
      %dma_wait3A_123 = arith.constant 0 : i32
      %dma_wait3A_124 = tpu.memref_slice %arg9[%dma_wait3A_122, %dma_wait3A_123] : memref<512x64xf32, #tpu.memory_space<vmem>> -> memref<128x64xf32, #tpu.memory_space<vmem>>
      %dma_wait3A_125 = arith.constant 0 : i32
      %dma_wait3A_126 = tpu.memref_slice %arg7[%add3A_82, %dma_wait3A_125] : memref<80x128xi32, #tpu.memory_space<vmem>> -> memref<1x128xi32, #tpu.memory_space<vmem>>
      %dma_wait3A_127 = tpu.memref_squeeze %dma_wait3A_126 : memref<1x128xi32, #tpu.memory_space<vmem>> -> memref<128xi32, #tpu.memory_space<vmem>>
      %dma_wait3A_128 = arith.constant 0 : i32
      %dma_wait3A_129 = arith.constant 0 : i32
      %dma_wait3A_130 = tpu.memref_slice %arg3[%dma_wait3A_128, %dma_wait3A_129] : memref<10000x64xf32, #tpu.memory_space<hbm>> -> memref<10000x64xf32, #tpu.memory_space<hbm>>
      tpu.wait_indirect_dma semaphore(%arg11 : memref<!tpu.dma_semaphore, #tpu.memory_space<semaphore_mem>>) src(%dma_wait3A_130 : memref<10000x64xf32, #tpu.memory_space<hbm>>) dst(%dma_wait3A_124 : memref<128x64xf32, #tpu.memory_space<vmem>>)
      %dma_wait3A_131 = arith.constant 384 : i32
      %dma_wait3A_132 = arith.constant 0 : i32
      %dma_wait3A_133 = tpu.memref_slice %arg9[%dma_wait3A_131, %dma_wait3A_132] : memref<512x64xf32, #tpu.memory_space<vmem>> -> memref<128x64xf32, #tpu.memory_space<vmem>>
      %dma_wait3A_134 = arith.constant 0 : i32
      %dma_wait3A_135 = tpu.memref_slice %arg7[%add3A_95, %dma_wait3A_134] : memref<80x128xi32, #tpu.memory_space<vmem>> -> memref<1x128xi32, #tpu.memory_space<vmem>>
      %dma_wait3A_136 = tpu.memref_squeeze %dma_wait3A_135 : memref<1x128xi32, #tpu.memory_space<vmem>> -> memref<128xi32, #tpu.memory_space<vmem>>
      %dma_wait3A_137 = arith.constant 0 : i32
      %dma_wait3A_138 = arith.constant 0 : i32
      %dma_wait3A_139 = tpu.memref_slice %arg3[%dma_wait3A_137, %dma_wait3A_138] : memref<10000x64xf32, #tpu.memory_space<hbm>> -> memref<10000x64xf32, #tpu.memory_space<hbm>>
      tpu.wait_indirect_dma semaphore(%arg11 : memref<!tpu.dma_semaphore, #tpu.memory_space<semaphore_mem>>) src(%dma_wait3A_139 : memref<10000x64xf32, #tpu.memory_space<hbm>>) dst(%dma_wait3A_133 : memref<128x64xf32, #tpu.memory_space<vmem>>)
      %mul3A_140 = arith.constant 4 : i32
      %mul3A_141 = arith.muli %scan3A_53, %mul3A_140 : i32
      %add3A_142 = arith.constant 0 : i32
      %add3A_143 = arith.addi %mul3A_141, %add3A_142 : i32
      %dma_start3A_144 = arith.constant 0 : i32
      %dma_start3A_145 = arith.constant 0 : i32
      %dma_start3A_146 = tpu.memref_slice %arg9[%dma_start3A_144, %dma_start3A_145] : memref<512x64xf32, #tpu.memory_space<vmem>> -> memref<128x64xf32, #tpu.memory_space<vmem>>
      %dma_start3A_147 = arith.constant 0 : i32
      %dma_start3A_148 = tpu.memref_slice %arg8[%add3A_143, %dma_start3A_147] : memref<80x128xi32, #tpu.memory_space<vmem>> -> memref<1x128xi32, #tpu.memory_space<vmem>>
      %dma_start3A_149 = tpu.memref_squeeze %dma_start3A_148 : memref<1x128xi32, #tpu.memory_space<vmem>> -> memref<128xi32, #tpu.memory_space<vmem>>
      %dma_start3A_150 = arith.constant 0 : i32
      %dma_start3A_151 = arith.constant 0 : i32
      %dma_start3A_152 = tpu.memref_slice %arg10[%dma_start3A_150, %dma_start3A_151] : memref<10112x64xf32, #tpu.memory_space<vmem_shared>> -> memref<10112x64xf32, #tpu.memory_space<vmem_shared>>
      tpu.enqueue_indirect_dma source(%dma_start3A_146 : memref<128x64xf32, #tpu.memory_space<vmem>>) target(%dma_start3A_152 : memref<10112x64xf32, #tpu.memory_space<vmem_shared>>) offsets(%dma_start3A_149 : memref<128xi32, #tpu.memory_space<vmem>>) semaphore(%arg12 : memref<!tpu.dma_semaphore, #tpu.memory_space<semaphore_mem>>) {add = true}
      %mul3A_153 = arith.constant 4 : i32
      %mul3A_154 = arith.muli %scan3A_53, %mul3A_153 : i32
      %add3A_155 = arith.constant 1 : i32
      %add3A_156 = arith.addi %mul3A_154, %add3A_155 : i32
      %dma_start3A_157 = arith.constant 128 : i32
      %dma_start3A_158 = arith.constant 0 : i32
      %dma_start3A_159 = tpu.memref_slice %arg9[%dma_start3A_157, %dma_start3A_158] : memref<512x64xf32, #tpu.memory_space<vmem>> -> memref<128x64xf32, #tpu.memory_space<vmem>>
      %dma_start3A_160 = arith.constant 0 : i32
      %dma_start3A_161 = tpu.memref_slice %arg8[%add3A_156, %dma_start3A_160] : memref<80x128xi32, #tpu.memory_space<vmem>> -> memref<1x128xi32, #tpu.memory_space<vmem>>
      %dma_start3A_162 = tpu.memref_squeeze %dma_start3A_161 : memref<1x128xi32, #tpu.memory_space<vmem>> -> memref<128xi32, #tpu.memory_space<vmem>>
      %dma_start3A_163 = arith.constant 0 : i32
      %dma_start3A_164 = arith.constant 0 : i32
      %dma_start3A_165 = tpu.memref_slice %arg10[%dma_start3A_163, %dma_start3A_164] : memref<10112x64xf32, #tpu.memory_space<vmem_shared>> -> memref<10112x64xf32, #tpu.memory_space<vmem_shared>>
      tpu.enqueue_indirect_dma source(%dma_start3A_159 : memref<128x64xf32, #tpu.memory_space<vmem>>) target(%dma_start3A_165 : memref<10112x64xf32, #tpu.memory_space<vmem_shared>>) offsets(%dma_start3A_162 : memref<128xi32, #tpu.memory_space<vmem>>) semaphore(%arg12 : memref<!tpu.dma_semaphore, #tpu.memory_space<semaphore_mem>>) {add = true}
      %mul3A_166 = arith.constant 4 : i32
      %mul3A_167 = arith.muli %scan3A_53, %mul3A_166 : i32
      %add3A_168 = arith.constant 2 : i32
      %add3A_169 = arith.addi %mul3A_167, %add3A_168 : i32
      %dma_start3A_170 = arith.constant 256 : i32
      %dma_start3A_171 = arith.constant 0 : i32
      %dma_start3A_172 = tpu.memref_slice %arg9[%dma_start3A_170, %dma_start3A_171] : memref<512x64xf32, #tpu.memory_space<vmem>> -> memref<128x64xf32, #tpu.memory_space<vmem>>
      %dma_start3A_173 = arith.constant 0 : i32
      %dma_start3A_174 = tpu.memref_slice %arg8[%add3A_169, %dma_start3A_173] : memref<80x128xi32, #tpu.memory_space<vmem>> -> memref<1x128xi32, #tpu.memory_space<vmem>>
      %dma_start3A_175 = tpu.memref_squeeze %dma_start3A_174 : memref<1x128xi32, #tpu.memory_space<vmem>> -> memref<128xi32, #tpu.memory_space<vmem>>
      %dma_start3A_176 = arith.constant 0 : i32
      %dma_start3A_177 = arith.constant 0 : i32
      %dma_start3A_178 = tpu.memref_slice %arg10[%dma_start3A_176, %dma_start3A_177] : memref<10112x64xf32, #tpu.memory_space<vmem_shared>> -> memref<10112x64xf32, #tpu.memory_space<vmem_shared>>
      tpu.enqueue_indirect_dma source(%dma_start3A_172 : memref<128x64xf32, #tpu.memory_space<vmem>>) target(%dma_start3A_178 : memref<10112x64xf32, #tpu.memory_space<vmem_shared>>) offsets(%dma_start3A_175 : memref<128xi32, #tpu.memory_space<vmem>>) semaphore(%arg12 : memref<!tpu.dma_semaphore, #tpu.memory_space<semaphore_mem>>) {add = true}
      %mul3A_179 = arith.constant 4 : i32
      %mul3A_180 = arith.muli %scan3A_53, %mul3A_179 : i32
      %add3A_181 = arith.constant 3 : i32
      %add3A_182 = arith.addi %mul3A_180, %add3A_181 : i32
      %dma_start3A_183 = arith.constant 384 : i32
      %dma_start3A_184 = arith.constant 0 : i32
      %dma_start3A_185 = tpu.memref_slice %arg9[%dma_start3A_183, %dma_start3A_184] : memref<512x64xf32, #tpu.memory_space<vmem>> -> memref<128x64xf32, #tpu.memory_space<vmem>>
      %dma_start3A_186 = arith.constant 0 : i32
      %dma_start3A_187 = tpu.memref_slice %arg8[%add3A_182, %dma_start3A_186] : memref<80x128xi32, #tpu.memory_space<vmem>> -> memref<1x128xi32, #tpu.memory_space<vmem>>
      %dma_start3A_188 = tpu.memref_squeeze %dma_start3A_187 : memref<1x128xi32, #tpu.memory_space<vmem>> -> memref<128xi32, #tpu.memory_space<vmem>>
      %dma_start3A_189 = arith.constant 0 : i32
      %dma_start3A_190 = arith.constant 0 : i32
      %dma_start3A_191 = tpu.memref_slice %arg10[%dma_start3A_189, %dma_start3A_190] : memref<10112x64xf32, #tpu.memory_space<vmem_shared>> -> memref<10112x64xf32, #tpu.memory_space<vmem_shared>>
      tpu.enqueue_indirect_dma source(%dma_start3A_185 : memref<128x64xf32, #tpu.memory_space<vmem>>) target(%dma_start3A_191 : memref<10112x64xf32, #tpu.memory_space<vmem_shared>>) offsets(%dma_start3A_188 : memref<128xi32, #tpu.memory_space<vmem>>) semaphore(%arg12 : memref<!tpu.dma_semaphore, #tpu.memory_space<semaphore_mem>>) {add = true}
      %dma_wait3A_192 = arith.constant 0 : i32
      %dma_wait3A_193 = arith.constant 0 : i32
      %dma_wait3A_194 = tpu.memref_slice %arg9[%dma_wait3A_192, %dma_wait3A_193] : memref<512x64xf32, #tpu.memory_space<vmem>> -> memref<128x64xf32, #tpu.memory_space<vmem>>
      %dma_wait3A_195 = arith.constant 0 : i32
      %dma_wait3A_196 = tpu.memref_slice %arg8[%add3A_143, %dma_wait3A_195] : memref<80x128xi32, #tpu.memory_space<vmem>> -> memref<1x128xi32, #tpu.memory_space<vmem>>
      %dma_wait3A_197 = tpu.memref_squeeze %dma_wait3A_196 : memref<1x128xi32, #tpu.memory_space<vmem>> -> memref<128xi32, #tpu.memory_space<vmem>>
      %dma_wait3A_198 = arith.constant 0 : i32
      %dma_wait3A_199 = arith.constant 0 : i32
      %dma_wait3A_200 = tpu.memref_slice %arg10[%dma_wait3A_198, %dma_wait3A_199] : memref<10112x64xf32, #tpu.memory_space<vmem_shared>> -> memref<10112x64xf32, #tpu.memory_space<vmem_shared>>
      tpu.wait_indirect_dma semaphore(%arg12 : memref<!tpu.dma_semaphore, #tpu.memory_space<semaphore_mem>>) src(%dma_wait3A_194 : memref<128x64xf32, #tpu.memory_space<vmem>>) dst(%dma_wait3A_200 : memref<10112x64xf32, #tpu.memory_space<vmem_shared>>)
      %dma_wait3A_201 = arith.constant 128 : i32
      %dma_wait3A_202 = arith.constant 0 : i32
      %dma_wait3A_203 = tpu.memref_slice %arg9[%dma_wait3A_201, %dma_wait3A_202] : memref<512x64xf32, #tpu.memory_space<vmem>> -> memref<128x64xf32, #tpu.memory_space<vmem>>
      %dma_wait3A_204 = arith.constant 0 : i32
      %dma_wait3A_205 = tpu.memref_slice %arg8[%add3A_156, %dma_wait3A_204] : memref<80x128xi32, #tpu.memory_space<vmem>> -> memref<1x128xi32, #tpu.memory_space<vmem>>
      %dma_wait3A_206 = tpu.memref_squeeze %dma_wait3A_205 : memref<1x128xi32, #tpu.memory_space<vmem>> -> memref<128xi32, #tpu.memory_space<vmem>>
      %dma_wait3A_207 = arith.constant 0 : i32
      %dma_wait3A_208 = arith.constant 0 : i32
      %dma_wait3A_209 = tpu.memref_slice %arg10[%dma_wait3A_207, %dma_wait3A_208] : memref<10112x64xf32, #tpu.memory_space<vmem_shared>> -> memref<10112x64xf32, #tpu.memory_space<vmem_shared>>
      tpu.wait_indirect_dma semaphore(%arg12 : memref<!tpu.dma_semaphore, #tpu.memory_space<semaphore_mem>>) src(%dma_wait3A_203 : memref<128x64xf32, #tpu.memory_space<vmem>>) dst(%dma_wait3A_209 : memref<10112x64xf32, #tpu.memory_space<vmem_shared>>)
      %dma_wait3A_210 = arith.constant 256 : i32
      %dma_wait3A_211 = arith.constant 0 : i32
      %dma_wait3A_212 = tpu.memref_slice %arg9[%dma_wait3A_210, %dma_wait3A_211] : memref<512x64xf32, #tpu.memory_space<vmem>> -> memref<128x64xf32, #tpu.memory_space<vmem>>
      %dma_wait3A_213 = arith.constant 0 : i32
      %dma_wait3A_214 = tpu.memref_slice %arg8[%add3A_169, %dma_wait3A_213] : memref<80x128xi32, #tpu.memory_space<vmem>> -> memref<1x128xi32, #tpu.memory_space<vmem>>
      %dma_wait3A_215 = tpu.memref_squeeze %dma_wait3A_214 : memref<1x128xi32, #tpu.memory_space<vmem>> -> memref<128xi32, #tpu.memory_space<vmem>>
      %dma_wait3A_216 = arith.constant 0 : i32
      %dma_wait3A_217 = arith.constant 0 : i32
      %dma_wait3A_218 = tpu.memref_slice %arg10[%dma_wait3A_216, %dma_wait3A_217] : memref<10112x64xf32, #tpu.memory_space<vmem_shared>> -> memref<10112x64xf32, #tpu.memory_space<vmem_shared>>
      tpu.wait_indirect_dma semaphore(%arg12 : memref<!tpu.dma_semaphore, #tpu.memory_space<semaphore_mem>>) src(%dma_wait3A_212 : memref<128x64xf32, #tpu.memory_space<vmem>>) dst(%dma_wait3A_218 : memref<10112x64xf32, #tpu.memory_space<vmem_shared>>)
      %dma_wait3A_219 = arith.constant 384 : i32
      %dma_wait3A_220 = arith.constant 0 : i32
      %dma_wait3A_221 = tpu.memref_slice %arg9[%dma_wait3A_219, %dma_wait3A_220] : memref<512x64xf32, #tpu.memory_space<vmem>> -> memref<128x64xf32, #tpu.memory_space<vmem>>
      %dma_wait3A_222 = arith.constant 0 : i32
      %dma_wait3A_223 = tpu.memref_slice %arg8[%add3A_182, %dma_wait3A_222] : memref<80x128xi32, #tpu.memory_space<vmem>> -> memref<1x128xi32, #tpu.memory_space<vmem>>
      %dma_wait3A_224 = tpu.memref_squeeze %dma_wait3A_223 : memref<1x128xi32, #tpu.memory_space<vmem>> -> memref<128xi32, #tpu.memory_space<vmem>>
      %dma_wait3A_225 = arith.constant 0 : i32
      %dma_wait3A_226 = arith.constant 0 : i32
      %dma_wait3A_227 = tpu.memref_slice %arg10[%dma_wait3A_225, %dma_wait3A_226] : memref<10112x64xf32, #tpu.memory_space<vmem_shared>> -> memref<10112x64xf32, #tpu.memory_space<vmem_shared>>
      tpu.wait_indirect_dma semaphore(%arg12 : memref<!tpu.dma_semaphore, #tpu.memory_space<semaphore_mem>>) src(%dma_wait3A_221 : memref<128x64xf32, #tpu.memory_space<vmem>>) dst(%dma_wait3A_227 : memref<10112x64xf32, #tpu.memory_space<vmem_shared>>)
    }
    %scan3A_49 = arith.constant 20 : i32
    %barrier3A_50 = arith.constant 0 : index
    tpu.barrier barrier_id(%barrier3A_50)
    %add3A_51 = arith.constant 2 : i32
    %add3A_52 = arith.addi %add3A_51, %arg0 : i32
    "tpu.region"() ({
      %run_scoped3A = tpu.sem_alloc : memref<!tpu.dma_semaphore, #tpu.memory_space<semaphore_mem>>
      %dma_start3A = arith.constant 0 : i32
      %dma_start3A_53 = tpu.memref_slice %arg6[%add3A_52, %mul3A_2, %dma_start3A] : memref<4x10112x64xf32, #tpu.memory_space<hbm>> -> memref<1x632x64xf32, #tpu.memory_space<hbm>>
      %dma_start3A_54 = tpu.memref_squeeze %dma_start3A_53 : memref<1x632x64xf32, #tpu.memory_space<hbm>> -> memref<632x64xf32, #tpu.memory_space<hbm>>
      %dma_start3A_55 = arith.constant 0 : i32
      %dma_start3A_56 = tpu.memref_slice %arg10[%mul3A_2, %dma_start3A_55] : memref<10112x64xf32, #tpu.memory_space<vmem_shared>> -> memref<632x64xf32, #tpu.memory_space<vmem_shared>>
      tpu.enqueue_dma source(%dma_start3A_56 : memref<632x64xf32, #tpu.memory_space<vmem_shared>>) target(%dma_start3A_54 : memref<632x64xf32, #tpu.memory_space<hbm>>) target_semaphore(%run_scoped3A : memref<!tpu.dma_semaphore, #tpu.memory_space<semaphore_mem>>)
      %dma_wait3A = arith.constant 0 : i32
      %dma_wait3A_57 = tpu.memref_slice %arg6[%add3A_52, %mul3A_2, %dma_wait3A] : memref<4x10112x64xf32, #tpu.memory_space<hbm>> -> memref<1x632x64xf32, #tpu.memory_space<hbm>>
      %dma_wait3A_58 = tpu.memref_squeeze %dma_wait3A_57 : memref<1x632x64xf32, #tpu.memory_space<hbm>> -> memref<632x64xf32, #tpu.memory_space<hbm>>
      %dma_wait3A_59 = arith.constant 0 : i32
      %dma_wait3A_60 = tpu.memref_slice %arg10[%mul3A_2, %dma_wait3A_59] : memref<10112x64xf32, #tpu.memory_space<vmem_shared>> -> memref<632x64xf32, #tpu.memory_space<vmem_shared>>
      tpu.wait_dma2 semaphore(%run_scoped3A : memref<!tpu.dma_semaphore, #tpu.memory_space<semaphore_mem>>) src(%dma_wait3A_60 : memref<632x64xf32, #tpu.memory_space<vmem_shared>>) dst(%dma_wait3A_58 : memref<632x64xf32, #tpu.memory_space<hbm>>)
      tpu.yield
    }) : () -> ()
    return
  }
}

#map = affine_map<(d0, d1) -> (0, 0, 0)>
module attributes {stable_mosaic.version = 14 : i64} {
  func.func @_sc_degree(%arg0: i32, %arg1: i32, %arg2: memref<32x80x128xi32, #tpu.memory_space<hbm>>, %arg3: memref<2x10112x16xf32, #tpu.memory_space<hbm>>, %arg4: memref<80x128xi32, #tpu.memory_space<vmem>>, %arg5: memref<128x16xf32, #tpu.memory_space<vmem>>, %arg6: memref<10112x16xf32, #tpu.memory_space<vmem_shared>>, %arg7: memref<!tpu.dma_semaphore, #tpu.memory_space<semaphore_mem>>) attributes {dimension_semantics = [#tpu.dimension_semantics<core_parallel>, #tpu.dimension_semantics<subcore_parallel>], iteration_bounds = array<i64: 2, 16>, scalar_prefetch = 0 : i64, scratch_operands = 4 : i64, tpu.core_type = #tpu.core_type<sc_vector_subcore>, window_params = [{transform_indices = #map}, {transform_indices = #map}]} {
    %mul3A = arith.constant 2 : i32
    %mul3A_0 = arith.muli %arg1, %mul3A : i32
    %add3A = arith.addi %mul3A_0, %arg0 : i32
    "tpu.region"() ({
      %run_scoped3A = tpu.sem_alloc : memref<!tpu.dma_semaphore, #tpu.memory_space<semaphore_mem>>
      %dma_start3A = arith.constant 0 : i32
      %dma_start3A_39 = arith.constant 0 : i32
      %dma_start3A_40 = tpu.memref_slice %arg2[%add3A, %dma_start3A, %dma_start3A_39] : memref<32x80x128xi32, #tpu.memory_space<hbm>> -> memref<1x80x128xi32, #tpu.memory_space<hbm>>
      %dma_start3A_41 = tpu.memref_squeeze %dma_start3A_40 : memref<1x80x128xi32, #tpu.memory_space<hbm>> -> memref<80x128xi32, #tpu.memory_space<hbm>>
      %dma_start3A_42 = arith.constant 0 : i32
      %dma_start3A_43 = arith.constant 0 : i32
      %dma_start3A_44 = tpu.memref_slice %arg2[%add3A, %dma_start3A_42, %dma_start3A_43] : memref<32x80x128xi32, #tpu.memory_space<hbm>> -> memref<1x80x128xi32, #tpu.memory_space<hbm>>
      %dma_start3A_45 = tpu.memref_squeeze %dma_start3A_44 : memref<1x80x128xi32, #tpu.memory_space<hbm>> -> memref<80x128xi32, #tpu.memory_space<hbm>>
      tpu.enqueue_dma source(%dma_start3A_45 : memref<80x128xi32, #tpu.memory_space<hbm>>) target(%arg4 : memref<80x128xi32, #tpu.memory_space<vmem>>) target_semaphore(%run_scoped3A : memref<!tpu.dma_semaphore, #tpu.memory_space<semaphore_mem>>)
      %dma_wait3A = arith.constant 0 : i32
      %dma_wait3A_46 = arith.constant 0 : i32
      %dma_wait3A_47 = tpu.memref_slice %arg2[%add3A, %dma_wait3A, %dma_wait3A_46] : memref<32x80x128xi32, #tpu.memory_space<hbm>> -> memref<1x80x128xi32, #tpu.memory_space<hbm>>
      %dma_wait3A_48 = tpu.memref_squeeze %dma_wait3A_47 : memref<1x80x128xi32, #tpu.memory_space<hbm>> -> memref<80x128xi32, #tpu.memory_space<hbm>>
      %dma_wait3A_49 = arith.constant 0 : i32
      %dma_wait3A_50 = arith.constant 0 : i32
      %dma_wait3A_51 = tpu.memref_slice %arg2[%add3A, %dma_wait3A_49, %dma_wait3A_50] : memref<32x80x128xi32, #tpu.memory_space<hbm>> -> memref<1x80x128xi32, #tpu.memory_space<hbm>>
      %dma_wait3A_52 = tpu.memref_squeeze %dma_wait3A_51 : memref<1x80x128xi32, #tpu.memory_space<hbm>> -> memref<80x128xi32, #tpu.memory_space<hbm>>
      tpu.wait_dma2 semaphore(%run_scoped3A : memref<!tpu.dma_semaphore, #tpu.memory_space<semaphore_mem>>) src(%dma_wait3A_52 : memref<80x128xi32, #tpu.memory_space<hbm>>) dst(%arg4 : memref<80x128xi32, #tpu.memory_space<vmem>>)
      tpu.yield
    }) : () -> ()
    %scan3A = arith.constant 0 : i32
    %scan3A_1 = arith.constant 0 : i32
    %scan3A_2 = arith.constant 128 : i32
    %scan3A_3 = arith.addi %scan3A_1, %scan3A_2 : i32
    %scan3A_4 = arith.constant 1 : i32
    scf.for %scan3A_39 = %scan3A_1 to %scan3A_3 step %scan3A_4  : i32 {
      %broadcast_in_dim3A_40 = arith.constant 0.000000e+00 : f32
      %broadcast_in_dim3A_41 = vector.broadcast %broadcast_in_dim3A_40 : f32 to vector<16xf32>
      %swap3A = arith.index_cast %scan3A_39 : i32 to index
      %swap3A_42 = arith.constant 0 : index
      %swap3A_43 = tpu.vector_load %arg5[%swap3A, %swap3A_42] {strides = array<i32>} : memref<128x16xf32, #tpu.memory_space<vmem>>, vector<1x16xf32>,
      %swap3A_44 = vector.shape_cast %swap3A_43 : vector<1x16xf32> to vector<16xf32>
      %swap3A_45 = vector.shape_cast %broadcast_in_dim3A_41 : vector<16xf32> to vector<1x16xf32>
      tpu.vector_store %arg5[%swap3A, %swap3A_42], %swap3A_45 {strides = array<i32>} : memref<128x16xf32, #tpu.memory_space<vmem>>, vector<1x16xf32>,
    }
    %scan3A_5 = arith.constant 128 : i32
    %mul3A_6 = arith.constant 632 : i32
    %mul3A_7 = arith.muli %arg1, %mul3A_6 : i32
    %add3A_8 = arith.constant 0 : i32
    %add3A_9 = arith.addi %mul3A_7, %add3A_8 : i32
    "tpu.region"() ({
      %run_scoped3A = tpu.sem_alloc : memref<!tpu.dma_semaphore, #tpu.memory_space<semaphore_mem>>
      %dma_start3A = arith.constant 0 : i32
      %dma_start3A_39 = arith.constant 0 : i32
      %dma_start3A_40 = tpu.memref_slice %arg5[%dma_start3A, %dma_start3A_39] : memref<128x16xf32, #tpu.memory_space<vmem>> -> memref<128x16xf32, #tpu.memory_space<vmem>>
      %dma_start3A_41 = arith.constant 0 : i32
      %dma_start3A_42 = tpu.memref_slice %arg6[%add3A_9, %dma_start3A_41] : memref<10112x16xf32, #tpu.memory_space<vmem_shared>> -> memref<128x16xf32, #tpu.memory_space<vmem_shared>>
      %dma_start3A_43 = arith.constant 0 : i32
      %dma_start3A_44 = tpu.memref_slice %arg6[%add3A_9, %dma_start3A_43] : memref<10112x16xf32, #tpu.memory_space<vmem_shared>> -> memref<128x16xf32, #tpu.memory_space<vmem_shared>>
      %dma_start3A_45 = arith.constant 0 : i32
      %dma_start3A_46 = arith.constant 0 : i32
      %dma_start3A_47 = tpu.memref_slice %arg5[%dma_start3A_45, %dma_start3A_46] : memref<128x16xf32, #tpu.memory_space<vmem>> -> memref<128x16xf32, #tpu.memory_space<vmem>>
      tpu.enqueue_dma source(%dma_start3A_47 : memref<128x16xf32, #tpu.memory_space<vmem>>) target(%dma_start3A_44 : memref<128x16xf32, #tpu.memory_space<vmem_shared>>) target_semaphore(%run_scoped3A : memref<!tpu.dma_semaphore, #tpu.memory_space<semaphore_mem>>)
      %dma_wait3A = arith.constant 0 : i32
      %dma_wait3A_48 = arith.constant 0 : i32
      %dma_wait3A_49 = tpu.memref_slice %arg5[%dma_wait3A, %dma_wait3A_48] : memref<128x16xf32, #tpu.memory_space<vmem>> -> memref<128x16xf32, #tpu.memory_space<vmem>>
      %dma_wait3A_50 = arith.constant 0 : i32
      %dma_wait3A_51 = tpu.memref_slice %arg6[%add3A_9, %dma_wait3A_50] : memref<10112x16xf32, #tpu.memory_space<vmem_shared>> -> memref<128x16xf32, #tpu.memory_space<vmem_shared>>
      %dma_wait3A_52 = arith.constant 0 : i32
      %dma_wait3A_53 = tpu.memref_slice %arg6[%add3A_9, %dma_wait3A_52] : memref<10112x16xf32, #tpu.memory_space<vmem_shared>> -> memref<128x16xf32, #tpu.memory_space<vmem_shared>>
      %dma_wait3A_54 = arith.constant 0 : i32
      %dma_wait3A_55 = arith.constant 0 : i32
      %dma_wait3A_56 = tpu.memref_slice %arg5[%dma_wait3A_54, %dma_wait3A_55] : memref<128x16xf32, #tpu.memory_space<vmem>> -> memref<128x16xf32, #tpu.memory_space<vmem>>
      tpu.wait_dma2 semaphore(%run_scoped3A : memref<!tpu.dma_semaphore, #tpu.memory_space<semaphore_mem>>) src(%dma_wait3A_56 : memref<128x16xf32, #tpu.memory_space<vmem>>) dst(%dma_wait3A_53 : memref<128x16xf32, #tpu.memory_space<vmem_shared>>)
      tpu.yield
    }) : () -> ()
    %add3A_10 = arith.constant 128 : i32
    %add3A_11 = arith.addi %mul3A_7, %add3A_10 : i32
    "tpu.region"() ({
      %run_scoped3A = tpu.sem_alloc : memref<!tpu.dma_semaphore, #tpu.memory_space<semaphore_mem>>
      %dma_start3A = arith.constant 0 : i32
      %dma_start3A_39 = arith.constant 0 : i32
      %dma_start3A_40 = tpu.memref_slice %arg5[%dma_start3A, %dma_start3A_39] : memref<128x16xf32, #tpu.memory_space<vmem>> -> memref<128x16xf32, #tpu.memory_space<vmem>>
      %dma_start3A_41 = arith.constant 0 : i32
      %dma_start3A_42 = tpu.memref_slice %arg6[%add3A_11, %dma_start3A_41] : memref<10112x16xf32, #tpu.memory_space<vmem_shared>> -> memref<128x16xf32, #tpu.memory_space<vmem_shared>>
      %dma_start3A_43 = arith.constant 0 : i32
      %dma_start3A_44 = tpu.memref_slice %arg6[%add3A_11, %dma_start3A_43] : memref<10112x16xf32, #tpu.memory_space<vmem_shared>> -> memref<128x16xf32, #tpu.memory_space<vmem_shared>>
      %dma_start3A_45 = arith.constant 0 : i32
      %dma_start3A_46 = arith.constant 0 : i32
      %dma_start3A_47 = tpu.memref_slice %arg5[%dma_start3A_45, %dma_start3A_46] : memref<128x16xf32, #tpu.memory_space<vmem>> -> memref<128x16xf32, #tpu.memory_space<vmem>>
      tpu.enqueue_dma source(%dma_start3A_47 : memref<128x16xf32, #tpu.memory_space<vmem>>) target(%dma_start3A_44 : memref<128x16xf32, #tpu.memory_space<vmem_shared>>) target_semaphore(%run_scoped3A : memref<!tpu.dma_semaphore, #tpu.memory_space<semaphore_mem>>)
      %dma_wait3A = arith.constant 0 : i32
      %dma_wait3A_48 = arith.constant 0 : i32
      %dma_wait3A_49 = tpu.memref_slice %arg5[%dma_wait3A, %dma_wait3A_48] : memref<128x16xf32, #tpu.memory_space<vmem>> -> memref<128x16xf32, #tpu.memory_space<vmem>>
      %dma_wait3A_50 = arith.constant 0 : i32
      %dma_wait3A_51 = tpu.memref_slice %arg6[%add3A_11, %dma_wait3A_50] : memref<10112x16xf32, #tpu.memory_space<vmem_shared>> -> memref<128x16xf32, #tpu.memory_space<vmem_shared>>
      %dma_wait3A_52 = arith.constant 0 : i32
      %dma_wait3A_53 = tpu.memref_slice %arg6[%add3A_11, %dma_wait3A_52] : memref<10112x16xf32, #tpu.memory_space<vmem_shared>> -> memref<128x16xf32, #tpu.memory_space<vmem_shared>>
      %dma_wait3A_54 = arith.constant 0 : i32
      %dma_wait3A_55 = arith.constant 0 : i32
      %dma_wait3A_56 = tpu.memref_slice %arg5[%dma_wait3A_54, %dma_wait3A_55] : memref<128x16xf32, #tpu.memory_space<vmem>> -> memref<128x16xf32, #tpu.memory_space<vmem>>
      tpu.wait_dma2 semaphore(%run_scoped3A : memref<!tpu.dma_semaphore, #tpu.memory_space<semaphore_mem>>) src(%dma_wait3A_56 : memref<128x16xf32, #tpu.memory_space<vmem>>) dst(%dma_wait3A_53 : memref<128x16xf32, #tpu.memory_space<vmem_shared>>)
      tpu.yield
    }) : () -> ()
    %add3A_12 = arith.constant 256 : i32
    %add3A_13 = arith.addi %mul3A_7, %add3A_12 : i32
    "tpu.region"() ({
      %run_scoped3A = tpu.sem_alloc : memref<!tpu.dma_semaphore, #tpu.memory_space<semaphore_mem>>
      %dma_start3A = arith.constant 0 : i32
      %dma_start3A_39 = arith.constant 0 : i32
      %dma_start3A_40 = tpu.memref_slice %arg5[%dma_start3A, %dma_start3A_39] : memref<128x16xf32, #tpu.memory_space<vmem>> -> memref<128x16xf32, #tpu.memory_space<vmem>>
      %dma_start3A_41 = arith.constant 0 : i32
      %dma_start3A_42 = tpu.memref_slice %arg6[%add3A_13, %dma_start3A_41] : memref<10112x16xf32, #tpu.memory_space<vmem_shared>> -> memref<128x16xf32, #tpu.memory_space<vmem_shared>>
      %dma_start3A_43 = arith.constant 0 : i32
      %dma_start3A_44 = tpu.memref_slice %arg6[%add3A_13, %dma_start3A_43] : memref<10112x16xf32, #tpu.memory_space<vmem_shared>> -> memref<128x16xf32, #tpu.memory_space<vmem_shared>>
      %dma_start3A_45 = arith.constant 0 : i32
      %dma_start3A_46 = arith.constant 0 : i32
      %dma_start3A_47 = tpu.memref_slice %arg5[%dma_start3A_45, %dma_start3A_46] : memref<128x16xf32, #tpu.memory_space<vmem>> -> memref<128x16xf32, #tpu.memory_space<vmem>>
      tpu.enqueue_dma source(%dma_start3A_47 : memref<128x16xf32, #tpu.memory_space<vmem>>) target(%dma_start3A_44 : memref<128x16xf32, #tpu.memory_space<vmem_shared>>) target_semaphore(%run_scoped3A : memref<!tpu.dma_semaphore, #tpu.memory_space<semaphore_mem>>)
      %dma_wait3A = arith.constant 0 : i32
      %dma_wait3A_48 = arith.constant 0 : i32
      %dma_wait3A_49 = tpu.memref_slice %arg5[%dma_wait3A, %dma_wait3A_48] : memref<128x16xf32, #tpu.memory_space<vmem>> -> memref<128x16xf32, #tpu.memory_space<vmem>>
      %dma_wait3A_50 = arith.constant 0 : i32
      %dma_wait3A_51 = tpu.memref_slice %arg6[%add3A_13, %dma_wait3A_50] : memref<10112x16xf32, #tpu.memory_space<vmem_shared>> -> memref<128x16xf32, #tpu.memory_space<vmem_shared>>
      %dma_wait3A_52 = arith.constant 0 : i32
      %dma_wait3A_53 = tpu.memref_slice %arg6[%add3A_13, %dma_wait3A_52] : memref<10112x16xf32, #tpu.memory_space<vmem_shared>> -> memref<128x16xf32, #tpu.memory_space<vmem_shared>>
      %dma_wait3A_54 = arith.constant 0 : i32
      %dma_wait3A_55 = arith.constant 0 : i32
      %dma_wait3A_56 = tpu.memref_slice %arg5[%dma_wait3A_54, %dma_wait3A_55] : memref<128x16xf32, #tpu.memory_space<vmem>> -> memref<128x16xf32, #tpu.memory_space<vmem>>
      tpu.wait_dma2 semaphore(%run_scoped3A : memref<!tpu.dma_semaphore, #tpu.memory_space<semaphore_mem>>) src(%dma_wait3A_56 : memref<128x16xf32, #tpu.memory_space<vmem>>) dst(%dma_wait3A_53 : memref<128x16xf32, #tpu.memory_space<vmem_shared>>)
      tpu.yield
    }) : () -> ()
    %add3A_14 = arith.constant 384 : i32
    %add3A_15 = arith.addi %mul3A_7, %add3A_14 : i32
    "tpu.region"() ({
      %run_scoped3A = tpu.sem_alloc : memref<!tpu.dma_semaphore, #tpu.memory_space<semaphore_mem>>
      %dma_start3A = arith.constant 0 : i32
      %dma_start3A_39 = arith.constant 0 : i32
      %dma_start3A_40 = tpu.memref_slice %arg5[%dma_start3A, %dma_start3A_39] : memref<128x16xf32, #tpu.memory_space<vmem>> -> memref<128x16xf32, #tpu.memory_space<vmem>>
      %dma_start3A_41 = arith.constant 0 : i32
      %dma_start3A_42 = tpu.memref_slice %arg6[%add3A_15, %dma_start3A_41] : memref<10112x16xf32, #tpu.memory_space<vmem_shared>> -> memref<128x16xf32, #tpu.memory_space<vmem_shared>>
      %dma_start3A_43 = arith.constant 0 : i32
      %dma_start3A_44 = tpu.memref_slice %arg6[%add3A_15, %dma_start3A_43] : memref<10112x16xf32, #tpu.memory_space<vmem_shared>> -> memref<128x16xf32, #tpu.memory_space<vmem_shared>>
      %dma_start3A_45 = arith.constant 0 : i32
      %dma_start3A_46 = arith.constant 0 : i32
      %dma_start3A_47 = tpu.memref_slice %arg5[%dma_start3A_45, %dma_start3A_46] : memref<128x16xf32, #tpu.memory_space<vmem>> -> memref<128x16xf32, #tpu.memory_space<vmem>>
      tpu.enqueue_dma source(%dma_start3A_47 : memref<128x16xf32, #tpu.memory_space<vmem>>) target(%dma_start3A_44 : memref<128x16xf32, #tpu.memory_space<vmem_shared>>) target_semaphore(%run_scoped3A : memref<!tpu.dma_semaphore, #tpu.memory_space<semaphore_mem>>)
      %dma_wait3A = arith.constant 0 : i32
      %dma_wait3A_48 = arith.constant 0 : i32
      %dma_wait3A_49 = tpu.memref_slice %arg5[%dma_wait3A, %dma_wait3A_48] : memref<128x16xf32, #tpu.memory_space<vmem>> -> memref<128x16xf32, #tpu.memory_space<vmem>>
      %dma_wait3A_50 = arith.constant 0 : i32
      %dma_wait3A_51 = tpu.memref_slice %arg6[%add3A_15, %dma_wait3A_50] : memref<10112x16xf32, #tpu.memory_space<vmem_shared>> -> memref<128x16xf32, #tpu.memory_space<vmem_shared>>
      %dma_wait3A_52 = arith.constant 0 : i32
      %dma_wait3A_53 = tpu.memref_slice %arg6[%add3A_15, %dma_wait3A_52] : memref<10112x16xf32, #tpu.memory_space<vmem_shared>> -> memref<128x16xf32, #tpu.memory_space<vmem_shared>>
      %dma_wait3A_54 = arith.constant 0 : i32
      %dma_wait3A_55 = arith.constant 0 : i32
      %dma_wait3A_56 = tpu.memref_slice %arg5[%dma_wait3A_54, %dma_wait3A_55] : memref<128x16xf32, #tpu.memory_space<vmem>> -> memref<128x16xf32, #tpu.memory_space<vmem>>
      tpu.wait_dma2 semaphore(%run_scoped3A : memref<!tpu.dma_semaphore, #tpu.memory_space<semaphore_mem>>) src(%dma_wait3A_56 : memref<128x16xf32, #tpu.memory_space<vmem>>) dst(%dma_wait3A_53 : memref<128x16xf32, #tpu.memory_space<vmem_shared>>)
      tpu.yield
    }) : () -> ()
    %add3A_16 = arith.constant 512 : i32
    %add3A_17 = arith.addi %mul3A_7, %add3A_16 : i32
    "tpu.region"() ({
      %run_scoped3A = tpu.sem_alloc : memref<!tpu.dma_semaphore, #tpu.memory_space<semaphore_mem>>
      %dma_start3A = arith.constant 0 : i32
      %dma_start3A_39 = arith.constant 0 : i32
      %dma_start3A_40 = tpu.memref_slice %arg5[%dma_start3A, %dma_start3A_39] : memref<128x16xf32, #tpu.memory_space<vmem>> -> memref<120x16xf32, #tpu.memory_space<vmem>>
      %dma_start3A_41 = arith.constant 0 : i32
      %dma_start3A_42 = tpu.memref_slice %arg6[%add3A_17, %dma_start3A_41] : memref<10112x16xf32, #tpu.memory_space<vmem_shared>> -> memref<120x16xf32, #tpu.memory_space<vmem_shared>>
      %dma_start3A_43 = arith.constant 0 : i32
      %dma_start3A_44 = tpu.memref_slice %arg6[%add3A_17, %dma_start3A_43] : memref<10112x16xf32, #tpu.memory_space<vmem_shared>> -> memref<120x16xf32, #tpu.memory_space<vmem_shared>>
      %dma_start3A_45 = arith.constant 0 : i32
      %dma_start3A_46 = arith.constant 0 : i32
      %dma_start3A_47 = tpu.memref_slice %arg5[%dma_start3A_45, %dma_start3A_46] : memref<128x16xf32, #tpu.memory_space<vmem>> -> memref<120x16xf32, #tpu.memory_space<vmem>>
      tpu.enqueue_dma source(%dma_start3A_47 : memref<120x16xf32, #tpu.memory_space<vmem>>) target(%dma_start3A_44 : memref<120x16xf32, #tpu.memory_space<vmem_shared>>) target_semaphore(%run_scoped3A : memref<!tpu.dma_semaphore, #tpu.memory_space<semaphore_mem>>)
      %dma_wait3A = arith.constant 0 : i32
      %dma_wait3A_48 = arith.constant 0 : i32
      %dma_wait3A_49 = tpu.memref_slice %arg5[%dma_wait3A, %dma_wait3A_48] : memref<128x16xf32, #tpu.memory_space<vmem>> -> memref<120x16xf32, #tpu.memory_space<vmem>>
      %dma_wait3A_50 = arith.constant 0 : i32
      %dma_wait3A_51 = tpu.memref_slice %arg6[%add3A_17, %dma_wait3A_50] : memref<10112x16xf32, #tpu.memory_space<vmem_shared>> -> memref<120x16xf32, #tpu.memory_space<vmem_shared>>
      %dma_wait3A_52 = arith.constant 0 : i32
      %dma_wait3A_53 = tpu.memref_slice %arg6[%add3A_17, %dma_wait3A_52] : memref<10112x16xf32, #tpu.memory_space<vmem_shared>> -> memref<120x16xf32, #tpu.memory_space<vmem_shared>>
      %dma_wait3A_54 = arith.constant 0 : i32
      %dma_wait3A_55 = arith.constant 0 : i32
      %dma_wait3A_56 = tpu.memref_slice %arg5[%dma_wait3A_54, %dma_wait3A_55] : memref<128x16xf32, #tpu.memory_space<vmem>> -> memref<120x16xf32, #tpu.memory_space<vmem>>
      tpu.wait_dma2 semaphore(%run_scoped3A : memref<!tpu.dma_semaphore, #tpu.memory_space<semaphore_mem>>) src(%dma_wait3A_56 : memref<120x16xf32, #tpu.memory_space<vmem>>) dst(%dma_wait3A_53 : memref<120x16xf32, #tpu.memory_space<vmem_shared>>)
      tpu.yield
    }) : () -> ()
    %iota3A = tpu.iota {dimensions = array<i32: 0>} : vector<16xi32>
    %lt3A = arith.constant 1 : i32
    %lt3A_18 = vector.broadcast %lt3A : i32 to vector<16xi32>
    %lt3A_19 = arith.cmpi slt, %iota3A, %lt3A_18 : vector<16xi32>
    %jit3A = arith.constant 1.000000e+00 : f32
    %jit3A_20 = arith.constant 0.000000e+00 : f32
    %broadcast_in_dim3A = vector.broadcast %jit3A : f32 to vector<16xf32>
    %broadcast_in_dim3A_21 = vector.broadcast %jit3A_20 : f32 to vector<16xf32>
    %select_n3A = arith.select %lt3A_19, %broadcast_in_dim3A, %broadcast_in_dim3A_21 : vector<16xi1>, vector<16xf32>
    %scan3A_22 = arith.constant 0 : i32
    %scan3A_23 = arith.constant 0 : i32
    %scan3A_24 = arith.constant 128 : i32
    %scan3A_25 = arith.addi %scan3A_23, %scan3A_24 : i32
    %scan3A_26 = arith.constant 1 : i32
    scf.for %scan3A_39 = %scan3A_23 to %scan3A_25 step %scan3A_26  : i32 {
      %swap3A = arith.index_cast %scan3A_39 : i32 to index
      %swap3A_40 = arith.constant 0 : index
      %swap3A_41 = tpu.vector_load %arg5[%swap3A, %swap3A_40] {strides = array<i32>} : memref<128x16xf32, #tpu.memory_space<vmem>>, vector<1x16xf32>,
      %swap3A_42 = vector.shape_cast %swap3A_41 : vector<1x16xf32> to vector<16xf32>
      %swap3A_43 = vector.shape_cast %select_n3A : vector<16xf32> to vector<1x16xf32>
      tpu.vector_store %arg5[%swap3A, %swap3A_40], %swap3A_43 {strides = array<i32>} : memref<128x16xf32, #tpu.memory_space<vmem>>, vector<1x16xf32>,
    }
    %scan3A_27 = arith.constant 128 : i32
    %barrier3A = arith.constant 0 : index
    tpu.barrier barrier_id(%barrier3A)
    %scan3A_28 = arith.constant 0 : i32
    %scan3A_29 = arith.constant 0 : i32
    %scan3A_30 = arith.constant 20 : i32
    %scan3A_31 = arith.addi %scan3A_29, %scan3A_30 : i32
    %scan3A_32 = arith.constant 1 : i32
    scf.for %scan3A_39 = %scan3A_29 to %scan3A_31 step %scan3A_32  : i32 {
      %mul3A_40 = arith.constant 4 : i32
      %mul3A_41 = arith.muli %scan3A_39, %mul3A_40 : i32
      %add3A_42 = arith.constant 0 : i32
      %add3A_43 = arith.addi %mul3A_41, %add3A_42 : i32
      %dma_start3A = arith.constant 0 : i32
      %dma_start3A_44 = tpu.memref_slice %arg4[%add3A_43, %dma_start3A] : memref<80x128xi32, #tpu.memory_space<vmem>> -> memref<1x128xi32, #tpu.memory_space<vmem>>
      %dma_start3A_45 = tpu.memref_squeeze %dma_start3A_44 : memref<1x128xi32, #tpu.memory_space<vmem>> -> memref<128xi32, #tpu.memory_space<vmem>>
      %dma_start3A_46 = arith.constant 0 : i32
      %dma_start3A_47 = arith.constant 0 : i32
      %dma_start3A_48 = tpu.memref_slice %arg6[%dma_start3A_46, %dma_start3A_47] : memref<10112x16xf32, #tpu.memory_space<vmem_shared>> -> memref<10112x16xf32, #tpu.memory_space<vmem_shared>>
      tpu.enqueue_indirect_dma source(%arg5 : memref<128x16xf32, #tpu.memory_space<vmem>>) target(%dma_start3A_48 : memref<10112x16xf32, #tpu.memory_space<vmem_shared>>) offsets(%dma_start3A_45 : memref<128xi32, #tpu.memory_space<vmem>>) semaphore(%arg7 : memref<!tpu.dma_semaphore, #tpu.memory_space<semaphore_mem>>) {add = true}
      %mul3A_49 = arith.constant 4 : i32
      %mul3A_50 = arith.muli %scan3A_39, %mul3A_49 : i32
      %add3A_51 = arith.constant 1 : i32
      %add3A_52 = arith.addi %mul3A_50, %add3A_51 : i32
      %dma_start3A_53 = arith.constant 0 : i32
      %dma_start3A_54 = tpu.memref_slice %arg4[%add3A_52, %dma_start3A_53] : memref<80x128xi32, #tpu.memory_space<vmem>> -> memref<1x128xi32, #tpu.memory_space<vmem>>
      %dma_start3A_55 = tpu.memref_squeeze %dma_start3A_54 : memref<1x128xi32, #tpu.memory_space<vmem>> -> memref<128xi32, #tpu.memory_space<vmem>>
      %dma_start3A_56 = arith.constant 0 : i32
      %dma_start3A_57 = arith.constant 0 : i32
      %dma_start3A_58 = tpu.memref_slice %arg6[%dma_start3A_56, %dma_start3A_57] : memref<10112x16xf32, #tpu.memory_space<vmem_shared>> -> memref<10112x16xf32, #tpu.memory_space<vmem_shared>>
      tpu.enqueue_indirect_dma source(%arg5 : memref<128x16xf32, #tpu.memory_space<vmem>>) target(%dma_start3A_58 : memref<10112x16xf32, #tpu.memory_space<vmem_shared>>) offsets(%dma_start3A_55 : memref<128xi32, #tpu.memory_space<vmem>>) semaphore(%arg7 : memref<!tpu.dma_semaphore, #tpu.memory_space<semaphore_mem>>) {add = true}
      %mul3A_59 = arith.constant 4 : i32
      %mul3A_60 = arith.muli %scan3A_39, %mul3A_59 : i32
      %add3A_61 = arith.constant 2 : i32
      %add3A_62 = arith.addi %mul3A_60, %add3A_61 : i32
      %dma_start3A_63 = arith.constant 0 : i32
      %dma_start3A_64 = tpu.memref_slice %arg4[%add3A_62, %dma_start3A_63] : memref<80x128xi32, #tpu.memory_space<vmem>> -> memref<1x128xi32, #tpu.memory_space<vmem>>
      %dma_start3A_65 = tpu.memref_squeeze %dma_start3A_64 : memref<1x128xi32, #tpu.memory_space<vmem>> -> memref<128xi32, #tpu.memory_space<vmem>>
      %dma_start3A_66 = arith.constant 0 : i32
      %dma_start3A_67 = arith.constant 0 : i32
      %dma_start3A_68 = tpu.memref_slice %arg6[%dma_start3A_66, %dma_start3A_67] : memref<10112x16xf32, #tpu.memory_space<vmem_shared>> -> memref<10112x16xf32, #tpu.memory_space<vmem_shared>>
      tpu.enqueue_indirect_dma source(%arg5 : memref<128x16xf32, #tpu.memory_space<vmem>>) target(%dma_start3A_68 : memref<10112x16xf32, #tpu.memory_space<vmem_shared>>) offsets(%dma_start3A_65 : memref<128xi32, #tpu.memory_space<vmem>>) semaphore(%arg7 : memref<!tpu.dma_semaphore, #tpu.memory_space<semaphore_mem>>) {add = true}
      %mul3A_69 = arith.constant 4 : i32
      %mul3A_70 = arith.muli %scan3A_39, %mul3A_69 : i32
      %add3A_71 = arith.constant 3 : i32
      %add3A_72 = arith.addi %mul3A_70, %add3A_71 : i32
      %dma_start3A_73 = arith.constant 0 : i32
      %dma_start3A_74 = tpu.memref_slice %arg4[%add3A_72, %dma_start3A_73] : memref<80x128xi32, #tpu.memory_space<vmem>> -> memref<1x128xi32, #tpu.memory_space<vmem>>
      %dma_start3A_75 = tpu.memref_squeeze %dma_start3A_74 : memref<1x128xi32, #tpu.memory_space<vmem>> -> memref<128xi32, #tpu.memory_space<vmem>>
      %dma_start3A_76 = arith.constant 0 : i32
      %dma_start3A_77 = arith.constant 0 : i32
      %dma_start3A_78 = tpu.memref_slice %arg6[%dma_start3A_76, %dma_start3A_77] : memref<10112x16xf32, #tpu.memory_space<vmem_shared>> -> memref<10112x16xf32, #tpu.memory_space<vmem_shared>>
      tpu.enqueue_indirect_dma source(%arg5 : memref<128x16xf32, #tpu.memory_space<vmem>>) target(%dma_start3A_78 : memref<10112x16xf32, #tpu.memory_space<vmem_shared>>) offsets(%dma_start3A_75 : memref<128xi32, #tpu.memory_space<vmem>>) semaphore(%arg7 : memref<!tpu.dma_semaphore, #tpu.memory_space<semaphore_mem>>) {add = true}
      %dma_wait3A = arith.constant 0 : i32
      %dma_wait3A_79 = tpu.memref_slice %arg4[%add3A_43, %dma_wait3A] : memref<80x128xi32, #tpu.memory_space<vmem>> -> memref<1x128xi32, #tpu.memory_space<vmem>>
      %dma_wait3A_80 = tpu.memref_squeeze %dma_wait3A_79 : memref<1x128xi32, #tpu.memory_space<vmem>> -> memref<128xi32, #tpu.memory_space<vmem>>
      %dma_wait3A_81 = arith.constant 0 : i32
      %dma_wait3A_82 = arith.constant 0 : i32
      %dma_wait3A_83 = tpu.memref_slice %arg6[%dma_wait3A_81, %dma_wait3A_82] : memref<10112x16xf32, #tpu.memory_space<vmem_shared>> -> memref<10112x16xf32, #tpu.memory_space<vmem_shared>>
      tpu.wait_indirect_dma semaphore(%arg7 : memref<!tpu.dma_semaphore, #tpu.memory_space<semaphore_mem>>) src(%arg5 : memref<128x16xf32, #tpu.memory_space<vmem>>) dst(%dma_wait3A_83 : memref<10112x16xf32, #tpu.memory_space<vmem_shared>>)
      %dma_wait3A_84 = arith.constant 0 : i32
      %dma_wait3A_85 = tpu.memref_slice %arg4[%add3A_52, %dma_wait3A_84] : memref<80x128xi32, #tpu.memory_space<vmem>> -> memref<1x128xi32, #tpu.memory_space<vmem>>
      %dma_wait3A_86 = tpu.memref_squeeze %dma_wait3A_85 : memref<1x128xi32, #tpu.memory_space<vmem>> -> memref<128xi32, #tpu.memory_space<vmem>>
      %dma_wait3A_87 = arith.constant 0 : i32
      %dma_wait3A_88 = arith.constant 0 : i32
      %dma_wait3A_89 = tpu.memref_slice %arg6[%dma_wait3A_87, %dma_wait3A_88] : memref<10112x16xf32, #tpu.memory_space<vmem_shared>> -> memref<10112x16xf32, #tpu.memory_space<vmem_shared>>
      tpu.wait_indirect_dma semaphore(%arg7 : memref<!tpu.dma_semaphore, #tpu.memory_space<semaphore_mem>>) src(%arg5 : memref<128x16xf32, #tpu.memory_space<vmem>>) dst(%dma_wait3A_89 : memref<10112x16xf32, #tpu.memory_space<vmem_shared>>)
      %dma_wait3A_90 = arith.constant 0 : i32
      %dma_wait3A_91 = tpu.memref_slice %arg4[%add3A_62, %dma_wait3A_90] : memref<80x128xi32, #tpu.memory_space<vmem>> -> memref<1x128xi32, #tpu.memory_space<vmem>>
      %dma_wait3A_92 = tpu.memref_squeeze %dma_wait3A_91 : memref<1x128xi32, #tpu.memory_space<vmem>> -> memref<128xi32, #tpu.memory_space<vmem>>
      %dma_wait3A_93 = arith.constant 0 : i32
      %dma_wait3A_94 = arith.constant 0 : i32
      %dma_wait3A_95 = tpu.memref_slice %arg6[%dma_wait3A_93, %dma_wait3A_94] : memref<10112x16xf32, #tpu.memory_space<vmem_shared>> -> memref<10112x16xf32, #tpu.memory_space<vmem_shared>>
      tpu.wait_indirect_dma semaphore(%arg7 : memref<!tpu.dma_semaphore, #tpu.memory_space<semaphore_mem>>) src(%arg5 : memref<128x16xf32, #tpu.memory_space<vmem>>) dst(%dma_wait3A_95 : memref<10112x16xf32, #tpu.memory_space<vmem_shared>>)
      %dma_wait3A_96 = arith.constant 0 : i32
      %dma_wait3A_97 = tpu.memref_slice %arg4[%add3A_72, %dma_wait3A_96] : memref<80x128xi32, #tpu.memory_space<vmem>> -> memref<1x128xi32, #tpu.memory_space<vmem>>
      %dma_wait3A_98 = tpu.memref_squeeze %dma_wait3A_97 : memref<1x128xi32, #tpu.memory_space<vmem>> -> memref<128xi32, #tpu.memory_space<vmem>>
      %dma_wait3A_99 = arith.constant 0 : i32
      %dma_wait3A_100 = arith.constant 0 : i32
      %dma_wait3A_101 = tpu.memref_slice %arg6[%dma_wait3A_99, %dma_wait3A_100] : memref<10112x16xf32, #tpu.memory_space<vmem_shared>> -> memref<10112x16xf32, #tpu.memory_space<vmem_shared>>
      tpu.wait_indirect_dma semaphore(%arg7 : memref<!tpu.dma_semaphore, #tpu.memory_space<semaphore_mem>>) src(%arg5 : memref<128x16xf32, #tpu.memory_space<vmem>>) dst(%dma_wait3A_101 : memref<10112x16xf32, #tpu.memory_space<vmem_shared>>)
    }
    %scan3A_33 = arith.constant 20 : i32
    %barrier3A_34 = arith.constant 0 : index
    tpu.barrier barrier_id(%barrier3A_34)
    %mul3A_35 = arith.constant 632 : i32
    %mul3A_36 = arith.muli %arg1, %mul3A_35 : i32
    %mul3A_37 = arith.constant 632 : i32
    %mul3A_38 = arith.muli %arg1, %mul3A_37 : i32
    "tpu.region"() ({
      %run_scoped3A = tpu.sem_alloc : memref<!tpu.dma_semaphore, #tpu.memory_space<semaphore_mem>>
      %dma_start3A = arith.constant 0 : i32
      %dma_start3A_39 = tpu.memref_slice %arg3[%arg0, %mul3A_38, %dma_start3A] : memref<2x10112x16xf32, #tpu.memory_space<hbm>> -> memref<1x632x16xf32, #tpu.memory_space<hbm>>
      %dma_start3A_40 = tpu.memref_squeeze %dma_start3A_39 : memref<1x632x16xf32, #tpu.memory_space<hbm>> -> memref<632x16xf32, #tpu.memory_space<hbm>>
      %dma_start3A_41 = arith.constant 0 : i32
      %dma_start3A_42 = tpu.memref_slice %arg6[%mul3A_36, %dma_start3A_41] : memref<10112x16xf32, #tpu.memory_space<vmem_shared>> -> memref<632x16xf32, #tpu.memory_space<vmem_shared>>
      tpu.enqueue_dma source(%dma_start3A_42 : memref<632x16xf32, #tpu.memory_space<vmem_shared>>) target(%dma_start3A_40 : memref<632x16xf32, #tpu.memory_space<hbm>>) target_semaphore(%run_scoped3A : memref<!tpu.dma_semaphore, #tpu.memory_space<semaphore_mem>>)
      %dma_wait3A = arith.constant 0 : i32
      %dma_wait3A_43 = tpu.memref_slice %arg3[%arg0, %mul3A_38, %dma_wait3A] : memref<2x10112x16xf32, #tpu.memory_space<hbm>> -> memref<1x632x16xf32, #tpu.memory_space<hbm>>
      %dma_wait3A_44 = tpu.memref_squeeze %dma_wait3A_43 : memref<1x632x16xf32, #tpu.memory_space<hbm>> -> memref<632x16xf32, #tpu.memory_space<hbm>>
      %dma_wait3A_45 = arith.constant 0 : i32
      %dma_wait3A_46 = tpu.memref_slice %arg6[%mul3A_36, %dma_wait3A_45] : memref<10112x16xf32, #tpu.memory_space<vmem_shared>> -> memref<632x16xf32, #tpu.memory_space<vmem_shared>>
      tpu.wait_dma2 semaphore(%run_scoped3A : memref<!tpu.dma_semaphore, #tpu.memory_space<semaphore_mem>>) src(%dma_wait3A_46 : memref<632x16xf32, #tpu.memory_space<vmem_shared>>) dst(%dma_wait3A_44 : memref<632x16xf32, #tpu.memory_space<hbm>>)
      tpu.yield
    }) : () -> ()
    return
  }
}

module attributes {stable_mosaic.version = 14 : i64} {
  func.func @_tc_prep_body(%arg0: i32, %arg1: memref<2x400x16xf32, #tpu.memory_space<vmem>>, %arg2: memref<400x128xf32, #tpu.memory_space<vmem>>, %arg3: memref<128x64xf32, #tpu.memory_space<vmem>>, %arg4: memref<128x64xf32, #tpu.memory_space<vmem>>, %arg5: memref<400x64xf32, #tpu.memory_space<vmem>>, %arg6: memref<400x64xf32, #tpu.memory_space<vmem>>, %arg7: memref<400x1xf32, #tpu.memory_space<vmem>>) attributes {dimension_semantics = [#tpu.dimension_semantics<arbitrary>], iteration_bounds = array<i64: 25>, scalar_prefetch = 0 : i64, scratch_operands = 0 : i64, tpu.core_type = #tpu.core_type<tc>, window_params = [{transform_indices = @transform_0, window_bounds = array<i64: 2, 400, 16>}, {transform_indices = @transform_1, window_bounds = array<i64: 400, 128>}, {pipeline_mode = #tpu.pipeline_mode<synchronous>, transform_indices = @transform_2, window_bounds = array<i64: 128, 64>}, {pipeline_mode = #tpu.pipeline_mode<synchronous>, transform_indices = @transform_3, window_bounds = array<i64: 128, 64>}, {transform_indices = @transform_4, window_bounds = array<i64: 400, 64>}, {transform_indices = @transform_5, window_bounds = array<i64: 400, 64>}, {transform_indices = @transform_6, window_bounds = array<i64: 400, 1>}]} {
    %get3A = arith.constant 0 : index
    %get3A_0 = arith.constant 0 : index
    %get3A_1 = arith.constant 0 : index
    %get3A_2 = vector.load %arg1[%get3A, %get3A_0, %get3A_1] : memref<2x400x16xf32, #tpu.memory_space<vmem>>, vector<1x400x1xf32>
    %get3A_3 = vector.shape_cast %get3A_2 : vector<1x400x1xf32> to vector<400x1xf32>
    %add3A = arith.constant 0.000000e+00 : f32
    %add3A_4 = vector.broadcast %add3A : f32 to vector<400x1xf32>
    %add3A_5 = arith.addf %add3A_4, %get3A_3 : vector<400x1xf32>
    %get3A_6 = arith.constant 1 : index
    %get3A_7 = arith.constant 0 : index
    %get3A_8 = arith.constant 0 : index
    %get3A_9 = vector.load %arg1[%get3A_6, %get3A_7, %get3A_8] : memref<2x400x16xf32, #tpu.memory_space<vmem>>, vector<1x400x1xf32>
    %get3A_10 = vector.shape_cast %get3A_9 : vector<1x400x1xf32> to vector<400x1xf32>
    %add3A_11 = arith.addf %add3A_5, %get3A_10 : vector<400x1xf32>
    %add3A_12 = arith.constant 1.000000e+00 : f32
    %add3A_13 = vector.broadcast %add3A_12 : f32 to vector<400x1xf32>
    %add3A_14 = arith.addf %add3A_11, %add3A_13 : vector<400x1xf32>
    %rsqrt3A = math.rsqrt %add3A_14 : vector<400x1xf32>
    %swap3A = arith.constant 0 : index
    %swap3A_15 = arith.constant 0 : index
    %swap3A_16 = vector.load %arg7[%swap3A, %swap3A_15] : memref<400x1xf32, #tpu.memory_space<vmem>>, vector<400x1xf32>
    tpu.vector_store %arg7[%swap3A, %swap3A_15], %rsqrt3A {strides = array<i32>} : memref<400x1xf32, #tpu.memory_space<vmem>>, vector<400x1xf32>,
    %get3A_17 = arith.constant 0 : index
    %get3A_18 = arith.constant 0 : index
    %get3A_19 = vector.load %arg2[%get3A_17, %get3A_18] : memref<400x128xf32, #tpu.memory_space<vmem>>, vector<400x128xf32>
    %get3A_20 = arith.constant 0 : index
    %get3A_21 = arith.constant 0 : index
    %get3A_22 = vector.load %arg3[%get3A_20, %get3A_21] : memref<128x64xf32, #tpu.memory_space<vmem>>, vector<128x64xf32>
    %dot_general3A = arith.constant dense<0.000000e+00> : vector<400x64xf32>
    %dot_general3A_23 = tpu.matmul %get3A_19, %get3A_22, %dot_general3A {dimension_numbers = #tpu.dot_dimension_numbers<[1], [0], [0], [1], [0, 0, 1, 1], [], []>, transpose_lhs_hint = false} : vector<400x128xf32>, vector<128x64xf32>, vector<400x64xf32> -> vector<400x64xf32>
    %mul3A = vector.broadcast %rsqrt3A : vector<400x1xf32> to vector<400x64xf32>
    %mul3A_24 = arith.mulf %dot_general3A_23, %mul3A : vector<400x64xf32>
    %swap3A_25 = arith.constant 0 : index
    %swap3A_26 = arith.constant 0 : index
    %swap3A_27 = vector.load %arg5[%swap3A_25, %swap3A_26] : memref<400x64xf32, #tpu.memory_space<vmem>>, vector<400x64xf32>
    tpu.vector_store %arg5[%swap3A_25, %swap3A_26], %mul3A_24 {strides = array<i32>} : memref<400x64xf32, #tpu.memory_space<vmem>>, vector<400x64xf32>,
    %get3A_28 = arith.constant 0 : index
    %get3A_29 = arith.constant 0 : index
    %get3A_30 = vector.load %arg4[%get3A_28, %get3A_29] : memref<128x64xf32, #tpu.memory_space<vmem>>, vector<128x64xf32>
    %dot_general3A_31 = arith.constant dense<0.000000e+00> : vector<400x64xf32>
    %dot_general3A_32 = tpu.matmul %get3A_19, %get3A_30, %dot_general3A_31 {dimension_numbers = #tpu.dot_dimension_numbers<[1], [0], [0], [1], [0, 0, 1, 1], [], []>, transpose_lhs_hint = false} : vector<400x128xf32>, vector<128x64xf32>, vector<400x64xf32> -> vector<400x64xf32>
    %mul3A_33 = vector.broadcast %rsqrt3A : vector<400x1xf32> to vector<400x64xf32>
    %mul3A_34 = arith.mulf %dot_general3A_32, %mul3A_33 : vector<400x64xf32>
    %swap3A_35 = arith.constant 0 : index
    %swap3A_36 = arith.constant 0 : index
    %swap3A_37 = vector.load %arg6[%swap3A_35, %swap3A_36] : memref<400x64xf32, #tpu.memory_space<vmem>>, vector<400x64xf32>
    tpu.vector_store %arg6[%swap3A_35, %swap3A_36], %mul3A_34 {strides = array<i32>} : memref<400x64xf32, #tpu.memory_space<vmem>>, vector<400x64xf32>,
    return
  }
  func.func @transform_0(%arg0: i32) -> (i32, i32, i32) {
    %c0_i32 = arith.constant 0 : i32
    %c0_i32_0 = arith.constant 0 : i32
    %c0_i32_1 = arith.constant 0 : i32
    return %c0_i32, %arg0, %c0_i32_0 : i32, i32, i32
  }
  func.func @transform_1(%arg0: i32) -> (i32, i32) {
    %c0_i32 = arith.constant 0 : i32
    %c0_i32_0 = arith.constant 0 : i32
    return %arg0, %c0_i32 : i32, i32
  }
  func.func @transform_2(%arg0: i32) -> (i32, i32) {
    %c0_i32 = arith.constant 0 : i32
    %c0_i32_0 = arith.constant 0 : i32
    %c0_i32_1 = arith.constant 0 : i32
    return %c0_i32, %c0_i32_0 : i32, i32
  }
  func.func @transform_3(%arg0: i32) -> (i32, i32) {
    %c0_i32 = arith.constant 0 : i32
    %c0_i32_0 = arith.constant 0 : i32
    %c0_i32_1 = arith.constant 0 : i32
    return %c0_i32, %c0_i32_0 : i32, i32
  }
  func.func @transform_4(%arg0: i32) -> (i32, i32) {
    %c0_i32 = arith.constant 0 : i32
    %c0_i32_0 = arith.constant 0 : i32
    return %arg0, %c0_i32 : i32, i32
  }
  func.func @transform_5(%arg0: i32) -> (i32, i32) {
    %c0_i32 = arith.constant 0 : i32
    %c0_i32_0 = arith.constant 0 : i32
    return %arg0, %c0_i32 : i32, i32
  }
  func.func @transform_6(%arg0: i32) -> (i32, i32) {
    %c0_i32 = arith.constant 0 : i32
    %c0_i32_0 = arith.constant 0 : i32
    return %arg0, %c0_i32 : i32, i32
  }
}

module attributes {stable_mosaic.version = 14 : i64} {
  func.func @_tc_mid_body(%arg0: i32, %arg1: memref<4x400x64xf32, #tpu.memory_space<vmem>>, %arg2: memref<400x64xf32, #tpu.memory_space<vmem>>, %arg3: memref<400x64xf32, #tpu.memory_space<vmem>>, %arg4: memref<400x1xf32, #tpu.memory_space<vmem>>, %arg5: memref<8x128xf32, #tpu.memory_space<vmem>>, %arg6: memref<8x128xf32, #tpu.memory_space<vmem>>, %arg7: memref<400x128xf32, #tpu.memory_space<vmem>>, %arg8: memref<128x64xf32, #tpu.memory_space<vmem>>, %arg9: memref<128x64xf32, #tpu.memory_space<vmem>>, %arg10: memref<400x128xf32, #tpu.memory_space<vmem>>, %arg11: memref<400x64xf32, #tpu.memory_space<vmem>>, %arg12: memref<400x64xf32, #tpu.memory_space<vmem>>) attributes {dimension_semantics = [#tpu.dimension_semantics<arbitrary>], iteration_bounds = array<i64: 25>, scalar_prefetch = 0 : i64, scratch_operands = 0 : i64, tpu.core_type = #tpu.core_type<tc>, window_params = [{transform_indices = @transform_0, window_bounds = array<i64: 4, 400, 64>}, {transform_indices = @transform_1, window_bounds = array<i64: 400, 64>}, {transform_indices = @transform_2, window_bounds = array<i64: 400, 64>}, {transform_indices = @transform_3, window_bounds = array<i64: 400, 1>}, {pipeline_mode = #tpu.pipeline_mode<synchronous>, transform_indices = @transform_4, window_bounds = array<i64: 8, 128>}, {pipeline_mode = #tpu.pipeline_mode<synchronous>, transform_indices = @transform_5, window_bounds = array<i64: 8, 128>}, {transform_indices = @transform_6, window_bounds = array<i64: 400, 128>}, {pipeline_mode = #tpu.pipeline_mode<synchronous>, transform_indices = @transform_7, window_bounds = array<i64: 128, 64>}, {pipeline_mode = #tpu.pipeline_mode<synchronous>, transform_indices = @transform_8, window_bounds = array<i64: 128, 64>}, {transform_indices = @transform_9, window_bounds = array<i64: 400, 128>}, {transform_indices = @transform_10, window_bounds = array<i64: 400, 64>}, {transform_indices = @transform_11, window_bounds = array<i64: 400, 64>}]} {
    %get3A = arith.constant 0 : index
    %get3A_0 = arith.constant 0 : index
    %get3A_1 = vector.load %arg4[%get3A, %get3A_0] : memref<400x1xf32, #tpu.memory_space<vmem>>, vector<400x1xf32>
    %get3A_2 = arith.constant 0 : index
    %get3A_3 = arith.constant 0 : index
    %get3A_4 = arith.constant 0 : index
    %get3A_5 = vector.load %arg1[%get3A_2, %get3A_3, %get3A_4] : memref<4x400x64xf32, #tpu.memory_space<vmem>>, vector<1x400x64xf32>
    %get3A_6 = vector.shape_cast %get3A_5 : vector<1x400x64xf32> to vector<400x64xf32>
    %get3A_7 = arith.constant 1 : index
    %get3A_8 = arith.constant 0 : index
    %get3A_9 = arith.constant 0 : index
    %get3A_10 = vector.load %arg1[%get3A_7, %get3A_8, %get3A_9] : memref<4x400x64xf32, #tpu.memory_space<vmem>>, vector<1x400x64xf32>
    %get3A_11 = vector.shape_cast %get3A_10 : vector<1x400x64xf32> to vector<400x64xf32>
    %add3A = arith.addf %get3A_6, %get3A_11 : vector<400x64xf32>
    %get3A_12 = arith.constant 0 : index
    %get3A_13 = arith.constant 0 : index
    %get3A_14 = vector.load %arg2[%get3A_12, %get3A_13] : memref<400x64xf32, #tpu.memory_space<vmem>>, vector<400x64xf32>
    %add3A_15 = arith.addf %add3A, %get3A_14 : vector<400x64xf32>
    %get3A_16 = arith.constant 2 : index
    %get3A_17 = arith.constant 0 : index
    %get3A_18 = arith.constant 0 : index
    %get3A_19 = vector.load %arg1[%get3A_16, %get3A_17, %get3A_18] : memref<4x400x64xf32, #tpu.memory_space<vmem>>, vector<1x400x64xf32>
    %get3A_20 = vector.shape_cast %get3A_19 : vector<1x400x64xf32> to vector<400x64xf32>
    %get3A_21 = arith.constant 3 : index
    %get3A_22 = arith.constant 0 : index
    %get3A_23 = arith.constant 0 : index
    %get3A_24 = vector.load %arg1[%get3A_21, %get3A_22, %get3A_23] : memref<4x400x64xf32, #tpu.memory_space<vmem>>, vector<1x400x64xf32>
    %get3A_25 = vector.shape_cast %get3A_24 : vector<1x400x64xf32> to vector<400x64xf32>
    %add3A_26 = arith.addf %get3A_20, %get3A_25 : vector<400x64xf32>
    %get3A_27 = arith.constant 0 : index
    %get3A_28 = arith.constant 0 : index
    %get3A_29 = vector.load %arg3[%get3A_27, %get3A_28] : memref<400x64xf32, #tpu.memory_space<vmem>>, vector<400x64xf32>
    %add3A_30 = arith.addf %add3A_26, %get3A_29 : vector<400x64xf32>
    %concatenate3A = tpu.concatenate %add3A_15, %add3A_30 in 1 : vector<400x64xf32>, vector<400x64xf32> -> vector<400x128xf32>
    %mul3A = vector.broadcast %get3A_1 : vector<400x1xf32> to vector<400x128xf32>
    %mul3A_31 = arith.mulf %mul3A, %concatenate3A : vector<400x128xf32>
    %get3A_32 = arith.constant 0 : index
    %get3A_33 = arith.constant 0 : index
    %get3A_34 = vector.load %arg5[%get3A_32, %get3A_33] : memref<8x128xf32, #tpu.memory_space<vmem>>, vector<1x128xf32>
    %add3A_35 = vector.broadcast %get3A_34 : vector<1x128xf32> to vector<400x128xf32>
    %add3A_36 = arith.addf %mul3A_31, %add3A_35 : vector<400x128xf32>
    %get3A_37 = arith.constant 0 : index
    %get3A_38 = arith.constant 0 : index
    %get3A_39 = vector.load %arg6[%get3A_37, %get3A_38] : memref<8x128xf32, #tpu.memory_space<vmem>>, vector<1x128xf32>
    %gt3A = arith.constant 0.000000e+00 : f32
    %gt3A_40 = vector.broadcast %gt3A : f32 to vector<1x128xf32>
    %gt3A_41 = arith.cmpf ogt, %get3A_39, %gt3A_40 : vector<1x128xf32>
    %max3A = arith.constant 0.000000e+00 : f32
    %max3A_42 = vector.broadcast %max3A : f32 to vector<400x128xf32>
    %max3A_43 = arith.maximumf %add3A_36, %max3A_42 : vector<400x128xf32>
    %broadcast_in_dim3A = vector.shape_cast %gt3A_41 : vector<1x128xi1> to vector<1x128xi1>
    %broadcast_in_dim3A_44 = vector.broadcast %broadcast_in_dim3A : vector<1x128xi1> to vector<400x128xi1>
    %select_n3A = arith.select %broadcast_in_dim3A_44, %max3A_43, %add3A_36 : vector<400x128xi1>, vector<400x128xf32>
    %get3A_45 = arith.constant 0 : index
    %get3A_46 = arith.constant 0 : index
    %get3A_47 = vector.load %arg7[%get3A_45, %get3A_46] : memref<400x128xf32, #tpu.memory_space<vmem>>, vector<400x128xf32>
    %add3A_48 = arith.addf %select_n3A, %get3A_47 : vector<400x128xf32>
    %swap3A = arith.constant 0 : index
    %swap3A_49 = arith.constant 0 : index
    %swap3A_50 = vector.load %arg10[%swap3A, %swap3A_49] : memref<400x128xf32, #tpu.memory_space<vmem>>, vector<400x128xf32>
    tpu.vector_store %arg10[%swap3A, %swap3A_49], %add3A_48 {strides = array<i32>} : memref<400x128xf32, #tpu.memory_space<vmem>>, vector<400x128xf32>,
    %get3A_51 = arith.constant 0 : index
    %get3A_52 = arith.constant 0 : index
    %get3A_53 = vector.load %arg8[%get3A_51, %get3A_52] : memref<128x64xf32, #tpu.memory_space<vmem>>, vector<128x64xf32>
    %dot_general3A = arith.constant dense<0.000000e+00> : vector<400x64xf32>
    %dot_general3A_54 = tpu.matmul %add3A_48, %get3A_53, %dot_general3A {dimension_numbers = #tpu.dot_dimension_numbers<[1], [0], [0], [1], [0, 0, 1, 1], [], []>, transpose_lhs_hint = false} : vector<400x128xf32>, vector<128x64xf32>, vector<400x64xf32> -> vector<400x64xf32>
    %mul3A_55 = vector.broadcast %get3A_1 : vector<400x1xf32> to vector<400x64xf32>
    %mul3A_56 = arith.mulf %dot_general3A_54, %mul3A_55 : vector<400x64xf32>
    %swap3A_57 = arith.constant 0 : index
    %swap3A_58 = arith.constant 0 : index
    %swap3A_59 = vector.load %arg11[%swap3A_57, %swap3A_58] : memref<400x64xf32, #tpu.memory_space<vmem>>, vector<400x64xf32>
    tpu.vector_store %arg11[%swap3A_57, %swap3A_58], %mul3A_56 {strides = array<i32>} : memref<400x64xf32, #tpu.memory_space<vmem>>, vector<400x64xf32>,
    %get3A_60 = arith.constant 0 : index
    %get3A_61 = arith.constant 0 : index
    %get3A_62 = vector.load %arg9[%get3A_60, %get3A_61] : memref<128x64xf32, #tpu.memory_space<vmem>>, vector<128x64xf32>
    %dot_general3A_63 = arith.constant dense<0.000000e+00> : vector<400x64xf32>
    %dot_general3A_64 = tpu.matmul %add3A_48, %get3A_62, %dot_general3A_63 {dimension_numbers = #tpu.dot_dimension_numbers<[1], [0], [0], [1], [0, 0, 1, 1], [], []>, transpose_lhs_hint = false} : vector<400x128xf32>, vector<128x64xf32>, vector<400x64xf32> -> vector<400x64xf32>
    %mul3A_65 = vector.broadcast %get3A_1 : vector<400x1xf32> to vector<400x64xf32>
    %mul3A_66 = arith.mulf %dot_general3A_64, %mul3A_65 : vector<400x64xf32>
    %swap3A_67 = arith.constant 0 : index
    %swap3A_68 = arith.constant 0 : index
    %swap3A_69 = vector.load %arg12[%swap3A_67, %swap3A_68] : memref<400x64xf32, #tpu.memory_space<vmem>>, vector<400x64xf32>
    tpu.vector_store %arg12[%swap3A_67, %swap3A_68], %mul3A_66 {strides = array<i32>} : memref<400x64xf32, #tpu.memory_space<vmem>>, vector<400x64xf32>,
    return
  }
  func.func @transform_0(%arg0: i32) -> (i32, i32, i32) {
    %c0_i32 = arith.constant 0 : i32
    %c0_i32_0 = arith.constant 0 : i32
    %c0_i32_1 = arith.constant 0 : i32
    return %c0_i32, %arg0, %c0_i32_0 : i32, i32, i32
  }
  func.func @transform_1(%arg0: i32) -> (i32, i32) {
    %c0_i32 = arith.constant 0 : i32
    %c0_i32_0 = arith.constant 0 : i32
    return %arg0, %c0_i32 : i32, i32
  }
  func.func @transform_2(%arg0: i32) -> (i32, i32) {
    %c0_i32 = arith.constant 0 : i32
    %c0_i32_0 = arith.constant 0 : i32
    return %arg0, %c0_i32 : i32, i32
  }
  func.func @transform_3(%arg0: i32) -> (i32, i32) {
    %c0_i32 = arith.constant 0 : i32
    %c0_i32_0 = arith.constant 0 : i32
    return %arg0, %c0_i32 : i32, i32
  }
  func.func @transform_4(%arg0: i32) -> (i32, i32) {
    %c0_i32 = arith.constant 0 : i32
    %c0_i32_0 = arith.constant 0 : i32
    %c0_i32_1 = arith.constant 0 : i32
    return %c0_i32, %c0_i32_0 : i32, i32
  }
  func.func @transform_5(%arg0: i32) -> (i32, i32) {
    %c0_i32 = arith.constant 0 : i32
    %c0_i32_0 = arith.constant 0 : i32
    %c0_i32_1 = arith.constant 0 : i32
    return %c0_i32, %c0_i32_0 : i32, i32
  }
  func.func @transform_6(%arg0: i32) -> (i32, i32) {
    %c0_i32 = arith.constant 0 : i32
    %c0_i32_0 = arith.constant 0 : i32
    return %arg0, %c0_i32 : i32, i32
  }
  func.func @transform_7(%arg0: i32) -> (i32, i32) {
    %c0_i32 = arith.constant 0 : i32
    %c0_i32_0 = arith.constant 0 : i32
    %c0_i32_1 = arith.constant 0 : i32
    return %c0_i32, %c0_i32_0 : i32, i32
  }
  func.func @transform_8(%arg0: i32) -> (i32, i32) {
    %c0_i32 = arith.constant 0 : i32
    %c0_i32_0 = arith.constant 0 : i32
    %c0_i32_1 = arith.constant 0 : i32
    return %c0_i32, %c0_i32_0 : i32, i32
  }
  func.func @transform_9(%arg0: i32) -> (i32, i32) {
    %c0_i32 = arith.constant 0 : i32
    %c0_i32_0 = arith.constant 0 : i32
    return %arg0, %c0_i32 : i32, i32
  }
  func.func @transform_10(%arg0: i32) -> (i32, i32) {
    %c0_i32 = arith.constant 0 : i32
    %c0_i32_0 = arith.constant 0 : i32
    return %arg0, %c0_i32 : i32, i32
  }
  func.func @transform_11(%arg0: i32) -> (i32, i32) {
    %c0_i32 = arith.constant 0 : i32
    %c0_i32_0 = arith.constant 0 : i32
    return %arg0, %c0_i32 : i32, i32
  }
}

</mosaic_0001>

<sc_bundles>
// kernel: closed_call.15.cloned.1.call-start
scs
__scs_entry_jumppad:
0x0: {  	(pc) =	sbr.rel $0x88, $3  }
0x1: {  	(tag) =	ssettag $0x0;
	lr =	simm.s32 $0x1  }
0x2: {  	[smem:$0x3F9B] =	sst lr;
	_ =	strace $0xD0000000  }
0x3: {  	_ = 	snop  }
0x4: {  	_ = 	snop  }
0x5: {  	_ = 	snop  }
0x6: {  	_ = 	snop  }
0x7: {  	_ = 	snop  }
__scs_overlays_trampoline_lowered:
0x8: {  	[smem:$0x3FAA] =	sst s0  }
0x9: {  	[smem:$0x3FAB] =	sst s1  }
0xa: {  	[smem:$0x3FAC] =	sst s2  }
0xb: {  	[smem:$0x3FAD] =	sst s3  }
0xc: {  	[smem:$0x3FAE] =	sst s4  }
0xd: {  	[smem:$0x3FAF] =	sst s5  }
0xe: {  	[smem:$0x3FB0] =	sst s6  }
0xf: {  	[smem:$0x3FB1] =	sst s7  }
0x10: {  	[smem:$0x3FB2] =	sst s8  }
0x11: {  	[smem:$0x3FB3] =	sst s9;
	s0 =	simm.s32 @!p0 $0x0  }
0x12: {  	s1 =	sld [smem:$0x3F99];
	s0 =	simm.s32 @p0 $0x1  }
0x13: {  	[smem:$0x3FB4] =	sst s0;
	s0 =	simm.s32 @!p1 $0x0  }
0x14: {  	s2 =	sld [smem:$0x3F98];
	s0 =	simm.s32 @p1 $0x1  }
0x15: {  	[smem:$0x3FB5] =	sst s0;
	s0 =	simm.s32 @!p2 $0x0  }
0x16: {  	s3 =	sld [smem:$0x3FDB];
	s0 =	simm.s32 @p2 $0x1  }
0x17: {  	s4 =	simm.s32 $0x1BF5;
	[smem:$0x3FB7] =	sst s0  }
0x18: {  	s0 =	sld [smem:$0x3F9A];
	_ =	swait.ge [sflag:s4], $0x0  }
0x19: {  	s7 =	sld [smem:$0x3F9B]  }
0x1a: {  	s8 =	sadd.s32 $0xFFFFE003, lr  }
0x1b: {  	s9 =	sadd.s32 $0xFFFFFEF7, lr;
	s5 =	simm.s32 $0xFFFFFFFF;
	p2 =	slt.u32 s8, $0xFFFFF086  }
0x1c: {  	p1 =	slt.u32 s9, $0xF7A;
	s5 =	simm.s32 @!p2 $0x0  }
0x1d: {  	s5 =	simm.s32 @p1 $0x1;
	p0 =	seq.s32 s7, s2  }
0x1e: {  	s7 =	smul.u32 @!p0 $0xF7A, s2;
	p2 =	seq.s32 @!p0 s5, $0x0  }
0x1f: {  	s9 =	smul.u32 $0xF7A, s1;
	s8 =	simm.s32 @!p0 $0x1BF5;
	p2 =	por !p2, p0  }
0x20: {  	[sflag:s8] =	ssyncset.s32 @!p0 $0xFFFFF086;
	s6 =	sadd.s32 @!p0 s3, s7;
	s7 =	simm.s32 @!p0 $0x108  }
0x21: {  	s3 =	sadd.s32 s3, s9;
	s6 =	sadd.s32 @!p0 $0x88, s6;
	s7 =	simm.s32 @p2 $0x1082  }
0x22: {  	[simem:s7], [sflag:s8] =	dma.local @!p0 [hbm:s6], $0xF7A  }
0x23: {  	s9 =	sor.u32 $0xD0000000, s2;
	s6 =	simm.s32 $0x108;
	_ =	swait.ge @!p0 [sflag:s8], $0x0  }
0x24: {  	s3 =	sadd.s32 $0x88, s3;
	s6 =	simm.s32 @!p1 $0x1082;
	[sflag:s4] =	ssyncset.s32 $0xFFFFF086  }
0x25: {  	[simem:s6], [sflag:s4] =	dma.local [hbm:s3], $0xF7A  }
0x26: {  	[smem:$0x3F9B] =	sst s1;
	(tag) =	ssettag s2;
	_ =	strace s9  }
0x27: {  	s1 =	sld [smem:$0x3FAB]  }
0x28: {  	s2 =	sld [smem:$0x3FAC]  }
0x29: {  	s4 =	sld [smem:$0x3FAE]  }
0x2a: {  	p0 =	seq.s32 s5, $0x0;
	s5 =	sld [smem:$0x3FAF]  }
0x2b: {  	s6 =	sld [smem:$0x3FB0]  }
0x2c: {  	s7 =	sld [smem:$0x3FB1]  }
0x2d: {  	s3 =	simm.s32 $0x108;
	s8 =	sld [smem:$0x3FB2]  }
0x2e: {  	s3 =	simm.s32 @!p0 $0x1082;
	s9 =	sld [smem:$0x3FB3]  }
0x2f: {  	lr =	sadd.s32 s0, s3;
	s0 =	sld [smem:$0x3FAA]  }
0x30: {  	s3 =	sld [smem:$0x3FAD]  }
0x31: {  	[smem:$0x3FB6] =	sst s10  }
0x32: {  	s10 =	sld [smem:$0x3FB4];
	_ =	sdelay $0x3  }
0x33: {  	p0 =	seq.s32 s10, $0x1;
	s10 =	sld [smem:$0x3FB6];
	_ =	sdelay $0x3  }
0x34: {  	[smem:$0x3FB6] =	sst s10  }
0x35: {  	s10 =	sld [smem:$0x3FB5];
	_ =	sdelay $0x3  }
0x36: {  	p1 =	seq.s32 s10, $0x1;
	s10 =	sld [smem:$0x3FB6];
	_ =	sdelay $0x3  }
0x37: {  	[smem:$0x3FB6] =	sst s10  }
0x38: {  	s10 =	sld [smem:$0x3FB7]  }
0x39: {  	_ = 	snop;
	(pc) =	sbr.ind lr, $3  }
0x3a: {  	_ = 	snop  }
0x3b: {  	_ = 	snop  }
0x3c: {  	p2 =	seq.s32 s10, $0x1;
	s10 =	sld [smem:$0x3FB6]  }
0x3d: {  	_ =	shalt  }
0x3e: {  	_ =	shalt  }
0x3f: {  	_ =	shalt  }
0x40: {  	_ =	shalt  }
0x41: {  	_ =	shalt  }
0x42: {  	_ =	shalt  }
0x43: {  	_ =	shalt  }
0x44: {  	_ =	shalt  }
0x45: {  	_ =	shalt  }
0x46: {  	_ =	shalt  }
0x47: {  	_ =	shalt  }
0x48: {  	_ =	shalt  }
0x49: {  	_ =	shalt  }
0x4a: {  	_ =	shalt  }
0x4b: {  	_ =	shalt  }
0x4c: {  	_ =	shalt  }
0x4d: {  	_ =	shalt  }
0x4e: {  	_ =	shalt  }
0x4f: {  	_ =	shalt  }
0x50: {  	_ =	shalt  }
0x51: {  	_ =	shalt  }
0x52: {  	_ =	shalt  }
0x53: {  	_ =	shalt  }
0x54: {  	_ =	shalt  }
0x55: {  	_ =	shalt  }
0x56: {  	_ =	shalt  }
0x57: {  	_ =	shalt  }
0x58: {  	_ =	shalt  }
0x59: {  	_ =	shalt  }
0x5a: {  	_ =	shalt  }
0x5b: {  	_ =	shalt  }
0x5c: {  	_ =	shalt  }
0x5d: {  	_ =	shalt  }
0x5e: {  	_ =	shalt  }
0x5f: {  	_ =	shalt  }
0x60: {  	_ =	shalt  }
0x61: {  	_ =	shalt  }
0x62: {  	_ =	shalt  }
0x63: {  	_ =	shalt  }
0x64: {  	_ =	shalt  }
0x65: {  	_ =	shalt  }
0x66: {  	_ =	shalt  }
0x67: {  	_ =	shalt  }
0x68: {  	_ =	shalt  }
0x69: {  	_ =	shalt  }
0x6a: {  	_ =	shalt  }
0x6b: {  	_ =	shalt  }
0x6c: {  	_ =	shalt  }
0x6d: {  	_ =	shalt  }
0x6e: {  	_ =	shalt  }
0x6f: {  	_ =	shalt  }
0x70: {  	_ =	shalt  }
0x71: {  	_ =	shalt  }
0x72: {  	_ =	shalt  }
0x73: {  	_ =	shalt  }
0x74: {  	_ =	shalt  }
0x75: {  	_ =	shalt  }
0x76: {  	_ =	shalt  }
0x77: {  	_ =	shalt  }
0x78: {  	_ =	shalt  }
0x79: {  	_ =	shalt  }
0x7a: {  	_ =	shalt  }
0x7b: {  	_ =	shalt  }
0x7c: {  	_ =	shalt  }
0x7d: {  	_ =	shalt  }
0x7e: {  	_ =	shalt  }
0x7f: {  	_ =	shalt  }
0x80: {  	_ =	shalt  }
0x81: {  	_ =	shalt  }
0x82: {  	_ =	shalt  }
0x83: {  	_ =	shalt  }
0x84: {  	_ =	shalt  }
0x85: {  	_ =	shalt  }
0x86: {  	_ =	shalt  }
0x87: {  	_ =	shalt  }
.Lfunc_end0:
.L_simem_size_0:
called_computation_lowered:
.L_overlay_start_0:
0x88: {  	s2 =	sld [smem:$0x3FD9]  }
0x89: {  	s3 =	sld [smem:$0x3FFE];
	_ =	sdelay $0x1  }
0x8a: {  	s1 =	srdreg.scid  }
0x8b: {  	s0 =	sand.u32 $0x1, s1  }
0x8c: {  	s17 =	sshll.u32 s0, $0xA;
	s2 =	sadd.s32 s3, s2  }
0x8d: {  	s2 =	sadd.s32 s2, s17  }
0x8e: {  	[smem:$0x3FC2] =	sst s2  }
0x8f: {  	_ = 	snop  }
0x90: {  	s2 =	sld [smem:$0x3FD0];
	(tm) =	ssettm $0x1  }
0x91: {  	s18 =	sld [smem:$0x3FFB];
	_ =	sdelay $0x3  }
0x92: {  	_ =	strace s18  }
0x93: {  	s3 =	sld [smem:$0x3FFC];
	_ =	sdelay $0x3  }
0x94: {  	_ =	strace s3  }
0x95: {  	s3 =	sld [smem:$0x3FFD];
	_ =	sdelay $0x3  }
0x96: {  	_ =	strace s3  }
0x97: {  	_ =	strace $0x8FFFFFFF  }
0x98: {  	s19 =	sld [smem:$0x3FDB];
	_ =	sdelay $0x1  }
0x99: {  	s4 =	simm.s32 $_scs_section_size  }
0x9a: {  	s5 =	simm.s32 $_size__tile_overlayer_lowered;
	s6 =	simm.s32 $_tile_overlayer_lowered  }
0x9b: {  	s22 =	simm.s32 $0x1BFF;
	s21 =	sshll.u32 s6, $0x1;
	s3 =	sadd.s32 s4, s19  }
0x9c: {  	s7 =	simm.s32 $0x0;
	s20 =	sshll.u32 s5, $0x1;
	s5 =	sadd.s32 s21, s3  }
0x9d: {  	[timem:s7], [sflag:s22] =	dma.local [hbm:s5], s20  }
0x9e: {  	_ =	swait.ge [sflag:s22], s20  }
0x9f: {  	s4 =	ssub.s32 $0x0, s20;
	[sflag:s22] =	ssyncset.done $0x0  }
0xa0: {  	[sflag:s22] =	ssyncadd.s32 s4;
	_ =	sdelay $0x1  }
0xa1: {  	s23 =	simm.s32 $0x1B8B  }
0xa2: {  	_ =	swait.ge [sflag:s23], $0x1  }
0xa3: {  	[sflag:s23] =	ssyncset.done $0x0  }
0xa4: {  	s25 =	simm.s32 $0x1B8E;
	s24 =	sld [smem:$0x3FFE];
	[sflag:s23] =	ssyncadd.s32 $0xFFFFFFFF  }
0xa5: {  	s26 =	simm.s32 $execute0_lowered;
	[smem:$0x3FD2] =	sst s25  }
0xa6: {  	s5 =	sshll.u32 s26, $0x1;
	_ =	strace $0x80000049;
	[dreg:$0x1] =	wrdreg $0xFFFFFFFF  }
0xa7: {  	s28 =	simm.s32 $_size_execute0_lowered;
	s3 =	sadd.s32 s3, s5;
	[dreg:$0x0] =	wrdreg $0x0  }
0xa8: {  	s5 =	sshll.u32 s28, $0x1;
	[dreg:$0x2] =	wrdreg s3  }
0xa9: {  	[dreg:$0x3] =	wrdreg s5  }
0xaa: {  	[dreg:$0x4] =	wrdreg $0xC0  }
0xab: {  	_ =	task [dreg:s7], $0x5FFFF  }
0xac: {  	[dreg:$0x1] =	wrdreg $0xFFFFFFFF  }
0xad: {  	[dreg:$0x0] =	wrdreg $0x60  }
0xae: {  	[dreg:$0x2] =	wrdreg s2  }
0xaf: {  	[dreg:$0x3] =	wrdreg s24  }
0xb0: {  	[dreg:$0x4] =	wrdreg $0xD0000  }
0xb1: {  	[dreg:$0x5] =	wrdreg $0x9  }
0xb2: {  	_ =	task.clear_ibuf [dreg:s7], $0x6FFFF;
	_ =	strace $0x90000049  }
0xb3: {  	s29 =	simm.s32 $0x9;
	_ =	strace $0x8000004B  }
0xb4: {  	_ =	swait.ge [sflag:s29], $0x1  }
0xb5: {  	[sflag:s29] =	ssyncadd.s32 $0xFFFFFFFF  }
0xb6: {  	_ =	strace $0x9000004B  }
0xb7: {  	_ =	sfence  }
0xb8: {  	s30 =	sld [smem:$0x0];
	_ =	sdelay $0x2  }
0xb9: {  	s31 =	sshll.u32 s1, $0xD;
	s1 =	sshrl.u32 s1, $0x2  }
0xba: {  	s3 =	sand.u32 $0x4000, s31;
	s1 =	sadd.s32 s1, s30  }
0xbb: {  	s0 =	sor.u32 s3, s0;
	s1 =	sshll.u32 s1, $0x11  }
0xbc: {  	s0 =	sor.u32 s1, s0  }
0xbd: {  	s0 =	sadd.s32 $0x8F2B, s0  }
0xbe: {  	[sflag:s0] =	ssyncadd.remote.s32 $0x1  }
0xbf: {  	_ =	sfence.sel $0xFFFF  }
0xc0: {  	[dreg:$0x0] =	wrdreg $0xFFFFFFFF;
	(pc) =	sbr.abs _section_cstart, $3  }
0xc1: {  	[dreg:$0x1] =	wrdreg $0xFFFFFFFF  }
0xc2: {  	_ =	task.clear_ibuf [dreg:s7], $0x2FFFF;
	_ =	strace $0x9FFFFFFF  }
0xc3: {  	(tm) =	ssettm $0x7FFFFFFF  }
tec
execute0_lowered:
.L_overlay_start_1:
0x0: {  	(tag) =	ssettag $0x1  }
0x1: {  	s1 =	rddreg [dreg:$0x0]  }
0x2: {  	s6 =	rddreg [dreg:$0x1]  }
0x3: {  	s3 =	rddreg [dreg:$0x2]  }
0x4: {  	s4 =	simm.s32 $0x0;
	s5 =	srdreg.scid;
	s2 =	stileid.u32  }
0x5: {  	s16 =	simm.s32 $0x3;
	s17 =	simm.s32 $0x2800;
	s18 =	simm.s32 $0x5000  }
0x6: {  	s19 =	simm.s32 $0x80;
	s20 =	simm.s32 $0x7000;
	s21 =	simm.s32 $0x9000  }
0x7: {  	s22 =	simm.s32 $0xB000;
	s23 =	simm.s32 $0x1;
	s24 =	simm.s32 $0x2  }
0x8: {  	s25 =	simm.s32 $0x0;
	s7 =	sand.u32 $0x1, s5;
	s8 =	smul.u32 $0x9E00, s2  }
0x9: {  	s29 =	sshll.u32 s2, $0x1;
	[smem:$0x7FF] =	sst s4;
	s11 =	smul.u32 $0x27800, s2  }
0xa: {  	s5 =	sadd.s32 $0x20400, s6;
	s9 =	sor.u32 s7, s29;
	s10 =	smul.u32 $0x9E000, s7  }
0xb: {  	_ =	strace $0x8000004A;
	s7 =	ssub.s32 $0x2, s7;
	s9 =	smul.u32 $0x500, s9  }
0xc: {  	s12 =	sshrl.u32 s7, $0x1;
	s30 =	sshrl.u32 s11, $0x2;
	s10 =	sadd.s32 s8, s10  }
0xd: {  	s15 =	ssub.s32 s7, s12;
	s31 =	sadd.s32 s30, s3;
	s8 =	sadd.s32 s8, s3  }
0xe: {  	s9 =	sadd.s32 s9, s6;
	s10 =	sshrl.u32 s10, $0x3;
	s11 =	sadd.s32 $0x6000, s31  }
0xf: {  	s12 =	sadd.s32 $0x8000, s31;
	s15 =	smax.u32 s15, $0x1;
	s14 =	sadd.s32 s10, s6  }
0x10: {  	s6 =	sadd.s32 $0xC400, s9;
	s7 =	sadd.s32 $0x16400, s9;
	s9 =	sadd.s32 $0x2000, s31  }
0x11: {  	v0 =	vimm.f32 $0.0e+00;
	s10 =	sadd.s32 $0x4000, s31;
	s13 =	sadd.s32 $0x33E00, s14;
	s14 =	sadd.s32 $0x5B600, s14  }
.LBB2_1:
0x12: {  	[tilespmem:s4], [sflag:$0x3] =	stream.linear.gather [hbm4b:s6+s4], $0x2800, $0x38;
	[tilespmem:$0x16E00] =	vst v63  }
0x13: {  	_ =	swait.ge [sflag:s16], $0x2800  }
0x14: {  	[sflag:s16] =	ssyncset.done $0x0  }
0x15: {  	[sflag:s16] =	ssyncadd.s32 $0xFFFFD800  }
0x16: {  	[tilespmem:s17], [sflag:$0x3] =	stream.linear.gather [hbm4b:s7+s4], $0x2800, $0x38;
	[tilespmem:$0x16E00] =	vst v63  }
0x17: {  	_ =	swait.ge [sflag:s16], $0x2800  }
0x18: {  	[sflag:s16] =	ssyncset.done $0x0  }
0x19: {  	s28 =	simm.s32 $0x100;
	s26 =	simm.s32 $0x0;
	[sflag:s16] =	ssyncadd.s32 $0xFFFFD800  }
.LBB2_2:
0x1a: {  	p0 =	sne.s32 s28, $0x7F00;
	[tilespmem:s26+$0x5030] =	vst v0;
	s29 =	smov.u32 s28;
	s28 =	sadd.s32 $0x100, s28  }
.Ltmp0:
0x1b: {  	[tilespmem:s26+$0x5020] =	vst v0;
	(pc) =	sbr.rel @p0 .LBB2_2-.Ltmp0, $3  }
0x1c: {  	[tilespmem:s26+$0x5000] =	vst v0  }
0x1d: {  	[tilespmem:s26+$0x5010] =	vst v0;
	_ =	sdelay $0x1  }
0x1e: {  	s26 =	sshra.s32 s29, $0x2  }
0x1f: {  	[tilespmem:s26+$0x5030] =	vst v0  }
0x20: {  	[tilespmem:s26+$0x5020] =	vst v0  }
0x21: {  	[tilespmem:s26+$0x5000] =	vst v0  }
0x22: {  	[tilespmem:s26+$0x5010] =	vst v0  }
0x23: {  	[spmem:s8] =	stream.linear.scatter [tilespmem:s18], [sflag:$0x3], $0x2000, $0x38;
	[tilespmem:$0x16E00] =	vst v63  }
0x24: {  	_ =	swait.ge [sflag:s16], $0x2000  }
0x25: {  	[sflag:s16] =	ssyncset.done $0x0  }
0x26: {  	[sflag:s16] =	ssyncadd.s32 $0xFFFFE000  }
0x27: {  	[spmem:s9] =	stream.linear.scatter [tilespmem:s18], [sflag:$0x3], $0x2000, $0x38;
	[tilespmem:$0x16E00] =	vst v63  }
0x28: {  	_ =	swait.ge [sflag:s16], $0x2000  }
0x29: {  	[sflag:s16] =	ssyncset.done $0x0  }
0x2a: {  	[sflag:s16] =	ssyncadd.s32 $0xFFFFE000  }
0x2b: {  	[spmem:s10] =	stream.linear.scatter [tilespmem:s18], [sflag:$0x3], $0x2000, $0x38;
	[tilespmem:$0x16E00] =	vst v63  }
0x2c: {  	_ =	swait.ge [sflag:s16], $0x2000  }
0x2d: {  	[sflag:s16] =	ssyncset.done $0x0  }
0x2e: {  	[sflag:s16] =	ssyncadd.s32 $0xFFFFE000  }
0x2f: {  	[spmem:s11] =	stream.linear.scatter [tilespmem:s18], [sflag:$0x3], $0x2000, $0x38;
	[tilespmem:$0x16E00] =	vst v63  }
0x30: {  	_ =	swait.ge [sflag:s16], $0x2000  }
0x31: {  	[sflag:s16] =	ssyncset.done $0x0  }
0x32: {  	[sflag:s16] =	ssyncadd.s32 $0xFFFFE000  }
0x33: {  	[spmem:s12] =	stream.linear.scatter [tilespmem:s18], [sflag:$0x3], $0x1E00, $0x38;
	[tilespmem:$0x16E00] =	vst v63  }
0x34: {  	_ =	swait.ge [sflag:s16], $0x1E00  }
0x35: {  	[sflag:s16] =	ssyncset.done $0x0  }
0x36: {  	[sflag:s16] =	ssyncadd.s32 $0xFFFFE200  }
0x37: {  	s0 =	simm.s32 $0x0;
	[bflag:$0x0] =	sbarrier.arrive $0xFFFF  }
0x38: {  	[tilespmem:s18], [sflag:$0x1] =	stream.indirect.gather [hbm4b:s1+s19], $0x40, s0, s19, $0xb8;
	[tilespmem:$0x16E00] =	vst v63  }
0x39: {  	s28 =	simm.s32 $0x80  }
0x3a: {  	[tilespmem:s20], [sflag:$0x1] =	stream.indirect.gather [hbm4b:s1+s19], $0x40, s28, s19, $0xb8;
	[tilespmem:$0x16E00] =	vst v63  }
0x3b: {  	s30 =	simm.s32 $0x100  }
0x3c: {  	[tilespmem:s21], [sflag:$0x1] =	stream.indirect.gather [hbm4b:s1+s19], $0x40, s30, s19, $0xb8;
	[tilespmem:$0x16E00] =	vst v63  }
0x3d: {  	s31 =	simm.s32 $0x180  }
0x3e: {  	[tilespmem:s22], [sflag:$0x1] =	stream.indirect.gather [hbm4b:s1+s19], $0x40, s31, s19, $0xb8;
	[tilespmem:$0x16E00] =	vst v63  }
0x3f: {  	_ =	swait.ge [sflag:s23], $0x2000  }
0x40: {  	[sflag:s23] =	ssyncset.done $0x0  }
0x41: {  	[sflag:s23] =	ssyncadd.s32 $0xFFFFE000  }
0x42: {  	_ =	swait.ge [sflag:s23], $0x2000  }
0x43: {  	[sflag:s23] =	ssyncset.done $0x0  }
0x44: {  	[sflag:s23] =	ssyncadd.s32 $0xFFFFE000  }
0x45: {  	_ =	swait.ge [sflag:s23], $0x2000  }
0x46: {  	[sflag:s23] =	ssyncset.done $0x0  }
0x47: {  	[sflag:s23] =	ssyncadd.s32 $0xFFFFE000  }
0x48: {  	_ =	swait.ge [sflag:s23], $0x2000  }
0x49: {  	[sflag:s23] =	ssyncset.done $0x0  }
0x4a: {  	s0 =	simm.s32 $0x2800;
	[sflag:s23] =	ssyncadd.s32 $0xFFFFE000  }
0x4b: {  	[spmem:s3] =	stream.indirect.scatter.add.f32 [tilespmem:s18], [sflag:$0x2], $0x40, s0, s19, $0xb8;
	[tilespmem:$0x16E00] =	vst v63  }
0x4c: {  	s28 =	simm.s32 $0x2880  }
0x4d: {  	[spmem:s3] =	stream.indirect.scatter.add.f32 [tilespmem:s20], [sflag:$0x2], $0x40, s28, s19, $0xb8;
	[tilespmem:$0x16E00] =	vst v63  }
0x4e: {  	s30 =	simm.s32 $0x2900  }
0x4f: {  	[spmem:s3] =	stream.indirect.scatter.add.f32 [tilespmem:s21], [sflag:$0x2], $0x40, s30, s19, $0xb8;
	[tilespmem:$0x16E00] =	vst v63  }
0x50: {  	s31 =	simm.s32 $0x2980  }
0x51: {  	[spmem:s3] =	stream.indirect.scatter.add.f32 [tilespmem:s22], [sflag:$0x2], $0x40, s31, s19, $0xb8;
	[tilespmem:$0x16E00] =	vst v63  }
0x52: {  	_ =	swait.ge [sflag:s24], $0x2000  }
0x53: {  	[sflag:s24] =	ssyncset.done $0x0  }
0x54: {  	[sflag:s24] =	ssyncadd.s32 $0xFFFFE000  }
0x55: {  	_ =	swait.ge [sflag:s24], $0x2000  }
0x56: {  	[sflag:s24] =	ssyncset.done $0x0  }
0x57: {  	[sflag:s24] =	ssyncadd.s32 $0xFFFFE000  }
0x58: {  	_ =	swait.ge [sflag:s24], $0x2000  }
0x59: {  	[sflag:s24] =	ssyncset.done $0x0  }
0x5a: {  	[sflag:s24] =	ssyncadd.s32 $0xFFFFE000  }
0x5b: {  	_ =	swait.ge [sflag:s24], $0x2000  }
0x5c: {  	s26 =	simm.s32 $0x800;
	s29 =	simm.s32 $0x1000;
	[sflag:s24] =	ssyncset.done $0x0  }
.LBB2_4:
0x5d: {  	s30 =	sshra.s32 s26, $0x2  }
0x5e: {  	[sflag:s24] =	ssyncadd.s32 $0xFFFFE000;
	s26 =	smov.u32 s29;
	s28 =	sadd.s32 $0x800, s29  }
0x5f: {  	[tilespmem:s18], [sflag:$0x1] =	stream.indirect.gather [hbm4b:s1+s19], $0x40, s30, s19, $0xb8;
	[tilespmem:$0x16E00] =	vst v63  }
0x60: {  	p0 =	sne.s32 s29, $0x9800;
	s29 =	sadd.s32 $0x80, s30  }
0x61: {  	[tilespmem:s20], [sflag:$0x1] =	stream.indirect.gather [hbm4b:s1+s19], $0x40, s29, s19, $0xb8;
	[tilespmem:$0x16E00] =	vst v63  }
0x62: {  	s29 =	sadd.s32 $0x100, s30  }
0x63: {  	[tilespmem:s21], [sflag:$0x1] =	stream.indirect.gather [hbm4b:s1+s19], $0x40, s29, s19, $0xb8;
	[tilespmem:$0x16E00] =	vst v63  }
0x64: {  	s29 =	sadd.s32 $0x180, s30  }
0x65: {  	[tilespmem:s22], [sflag:$0x1] =	stream.indirect.gather [hbm4b:s1+s19], $0x40, s29, s19, $0xb8;
	[tilespmem:$0x16E00] =	vst v63  }
0x66: {  	_ =	swait.ge [sflag:s23], $0x2000  }
0x67: {  	[sflag:s23] =	ssyncset.done $0x0  }
0x68: {  	[sflag:s23] =	ssyncadd.s32 $0xFFFFE000  }
0x69: {  	_ =	swait.ge [sflag:s23], $0x2000  }
0x6a: {  	[sflag:s23] =	ssyncset.done $0x0  }
0x6b: {  	[sflag:s23] =	ssyncadd.s32 $0xFFFFE000  }
0x6c: {  	_ =	swait.ge [sflag:s23], $0x2000  }
0x6d: {  	[sflag:s23] =	ssyncset.done $0x0  }
0x6e: {  	[sflag:s23] =	ssyncadd.s32 $0xFFFFE000  }
0x6f: {  	_ =	swait.ge [sflag:s23], $0x2000  }
0x70: {  	[sflag:s23] =	ssyncset.done $0x0  }
0x71: {  	s29 =	sadd.s32 $0x2800, s30;
	[sflag:s23] =	ssyncadd.s32 $0xFFFFE000  }
0x72: {  	[spmem:s3] =	stream.indirect.scatter.add.f32 [tilespmem:s18], [sflag:$0x2], $0x40, s29, s19, $0xb8;
	[tilespmem:$0x16E00] =	vst v63  }
0x73: {  	s29 =	sadd.s32 $0x2880, s30  }
0x74: {  	[spmem:s3] =	stream.indirect.scatter.add.f32 [tilespmem:s20], [sflag:$0x2], $0x40, s29, s19, $0xb8;
	[tilespmem:$0x16E00] =	vst v63  }
0x75: {  	s29 =	sadd.s32 $0x2900, s30  }
0x76: {  	[spmem:s3] =	stream.indirect.scatter.add.f32 [tilespmem:s21], [sflag:$0x2], $0x40, s29, s19, $0xb8;
	[tilespmem:$0x16E00] =	vst v63  }
0x77: {  	s29 =	sadd.s32 $0x2980, s30  }
0x78: {  	[spmem:s3] =	stream.indirect.scatter.add.f32 [tilespmem:s22], [sflag:$0x2], $0x40, s29, s19, $0xb8;
	[tilespmem:$0x16E00] =	vst v63  }
0x79: {  	_ =	swait.ge [sflag:s24], $0x2000  }
0x7a: {  	[sflag:s24] =	ssyncset.done $0x0  }
0x7b: {  	[sflag:s24] =	ssyncadd.s32 $0xFFFFE000  }
0x7c: {  	_ =	swait.ge [sflag:s24], $0x2000  }
0x7d: {  	[sflag:s24] =	ssyncset.done $0x0  }
0x7e: {  	[sflag:s24] =	ssyncadd.s32 $0xFFFFE000  }
.Ltmp1:
0x7f: {  	_ =	swait.ge [sflag:s24], $0x2000;
	(pc) =	sbr.rel @p0 .LBB2_4-.Ltmp1, $4  }
0x80: {  	[sflag:s24] =	ssyncset.done $0x0  }
0x81: {  	[sflag:s24] =	ssyncadd.s32 $0xFFFFE000  }
0x82: {  	_ =	swait.ge [sflag:s24], $0x2000  }
0x83: {  	s29 =	smov.u32 s28;
	[sflag:s24] =	ssyncset.done $0x0  }
0x84: {  	s26 =	sshra.s32 s26, $0x2;
	[sflag:s24] =	ssyncadd.s32 $0xFFFFE000  }
0x85: {  	[tilespmem:s18], [sflag:$0x1] =	stream.indirect.gather [hbm4b:s1+s19], $0x40, s26, s19, $0xb8;
	[tilespmem:$0x16E00] =	vst v63  }
0x86: {  	s28 =	sadd.s32 $0x80, s26  }
0x87: {  	[tilespmem:s20], [sflag:$0x1] =	stream.indirect.gather [hbm4b:s1+s19], $0x40, s28, s19, $0xb8;
	[tilespmem:$0x16E00] =	vst v63  }
0x88: {  	s28 =	sadd.s32 $0x100, s26  }
0x89: {  	[tilespmem:s21], [sflag:$0x1] =	stream.indirect.gather [hbm4b:s1+s19], $0x40, s28, s19, $0xb8;
	[tilespmem:$0x16E00] =	vst v63  }
0x8a: {  	s28 =	sadd.s32 $0x180, s26  }
0x8b: {  	[tilespmem:s22], [sflag:$0x1] =	stream.indirect.gather [hbm4b:s1+s19], $0x40, s28, s19, $0xb8;
	[tilespmem:$0x16E00] =	vst v63  }
0x8c: {  	_ =	swait.ge [sflag:s23], $0x2000  }
0x8d: {  	[sflag:s23] =	ssyncset.done $0x0  }
0x8e: {  	[sflag:s23] =	ssyncadd.s32 $0xFFFFE000  }
0x8f: {  	_ =	swait.ge [sflag:s23], $0x2000  }
0x90: {  	[sflag:s23] =	ssyncset.done $0x0  }
0x91: {  	[sflag:s23] =	ssyncadd.s32 $0xFFFFE000  }
0x92: {  	_ =	swait.ge [sflag:s23], $0x2000  }
0x93: {  	[sflag:s23] =	ssyncset.done $0x0  }
0x94: {  	[sflag:s23] =	ssyncadd.s32 $0xFFFFE000  }
0x95: {  	_ =	swait.ge [sflag:s23], $0x2000  }
0x96: {  	[sflag:s23] =	ssyncset.done $0x0  }
0x97: {  	s28 =	sadd.s32 $0x2800, s26;
	[sflag:s23] =	ssyncadd.s32 $0xFFFFE000  }
0x98: {  	[spmem:s3] =	stream.indirect.scatter.add.f32 [tilespmem:s18], [sflag:$0x2], $0x40, s28, s19, $0xb8;
	[tilespmem:$0x16E00] =	vst v63  }
0x99: {  	s28 =	sadd.s32 $0x2880, s26  }
0x9a: {  	[spmem:s3] =	stream.indirect.scatter.add.f32 [tilespmem:s20], [sflag:$0x2], $0x40, s28, s19, $0xb8;
	[tilespmem:$0x16E00] =	vst v63  }
0x9b: {  	s28 =	sadd.s32 $0x2900, s26  }
0x9c: {  	[spmem:s3] =	stream.indirect.scatter.add.f32 [tilespmem:s21], [sflag:$0x2], $0x40, s28, s19, $0xb8;
	[tilespmem:$0x16E00] =	vst v63  }
0x9d: {  	s26 =	sadd.s32 $0x2980, s26  }
0x9e: {  	[spmem:s3] =	stream.indirect.scatter.add.f32 [tilespmem:s22], [sflag:$0x2], $0x40, s26, s19, $0xb8;
	[tilespmem:$0x16E00] =	vst v63  }
0x9f: {  	_ =	swait.ge [sflag:s24], $0x2000  }
0xa0: {  	[sflag:s24] =	ssyncset.done $0x0  }
0xa1: {  	[sflag:s24] =	ssyncadd.s32 $0xFFFFE000  }
0xa2: {  	_ =	swait.ge [sflag:s24], $0x2000  }
0xa3: {  	[sflag:s24] =	ssyncset.done $0x0  }
0xa4: {  	[sflag:s24] =	ssyncadd.s32 $0xFFFFE000  }
0xa5: {  	_ =	swait.ge [sflag:s24], $0x2000  }
0xa6: {  	[sflag:s24] =	ssyncset.done $0x0  }
0xa7: {  	[sflag:s24] =	ssyncadd.s32 $0xFFFFE000  }
0xa8: {  	_ =	swait.ge [sflag:s24], $0x2000  }
0xa9: {  	[sflag:s24] =	ssyncset.done $0x0  }
0xaa: {  	s31 =	sshll.u32 s2, $0x6;
	[sflag:s24] =	ssyncadd.s32 $0xFFFFE000  }
0xab: {  	s28 =	sshrl.u32 s8, $0x3;
	s26 =	sor.u32 $0x1C03, s31;
	[bflag:$0x0] =	sbarrier.arrive $0xFFFF  }
0xac: {  	[hbm:s13], [sflag:s26] =	dma.local [spmem:s28], $0x13C0  }
0xad: {  	_ =	swait.ge [sflag:s16], $0x13C0  }
0xae: {  	[sflag:s16] =	ssyncset.done $0x0  }
0xaf: {  	s30 =	simm.s32 $0x100;
	s29 =	simm.s32 $0x0;
	[sflag:s16] =	ssyncadd.s32 $0xFFFFEC40  }
.LBB2_6:
0xb0: {  	p0 =	sne.s32 s30, $0x7F00;
	[tilespmem:s29+$0x5030] =	vst v0;
	s31 =	smov.u32 s30;
	s30 =	sadd.s32 $0x100, s30  }
.Ltmp2:
0xb1: {  	[tilespmem:s29+$0x5020] =	vst v0;
	(pc) =	sbr.rel @p0 .LBB2_6-.Ltmp2, $3  }
0xb2: {  	[tilespmem:s29+$0x5000] =	vst v0  }
0xb3: {  	[tilespmem:s29+$0x5010] =	vst v0;
	_ =	sdelay $0x1  }
0xb4: {  	s29 =	sshra.s32 s31, $0x2  }
0xb5: {  	[tilespmem:s29+$0x5030] =	vst v0  }
0xb6: {  	[tilespmem:s29+$0x5020] =	vst v0  }
0xb7: {  	[tilespmem:s29+$0x5000] =	vst v0  }
0xb8: {  	[tilespmem:s29+$0x5010] =	vst v0  }
0xb9: {  	[spmem:s8] =	stream.linear.scatter [tilespmem:s18], [sflag:$0x3], $0x2000, $0x38;
	[tilespmem:$0x16E00] =	vst v63  }
0xba: {  	_ =	swait.ge [sflag:s16], $0x2000  }
0xbb: {  	[sflag:s16] =	ssyncset.done $0x0  }
0xbc: {  	[sflag:s16] =	ssyncadd.s32 $0xFFFFE000  }
0xbd: {  	[spmem:s9] =	stream.linear.scatter [tilespmem:s18], [sflag:$0x3], $0x2000, $0x38;
	[tilespmem:$0x16E00] =	vst v63  }
0xbe: {  	_ =	swait.ge [sflag:s16], $0x2000  }
0xbf: {  	[sflag:s16] =	ssyncset.done $0x0  }
0xc0: {  	[sflag:s16] =	ssyncadd.s32 $0xFFFFE000  }
0xc1: {  	[spmem:s10] =	stream.linear.scatter [tilespmem:s18], [sflag:$0x3], $0x2000, $0x38;
	[tilespmem:$0x16E00] =	vst v63  }
0xc2: {  	_ =	swait.ge [sflag:s16], $0x2000  }
0xc3: {  	[sflag:s16] =	ssyncset.done $0x0  }
0xc4: {  	[sflag:s16] =	ssyncadd.s32 $0xFFFFE000  }
0xc5: {  	[spmem:s11] =	stream.linear.scatter [tilespmem:s18], [sflag:$0x3], $0x2000, $0x38;
	[tilespmem:$0x16E00] =	vst v63  }
0xc6: {  	_ =	swait.ge [sflag:s16], $0x2000  }
0xc7: {  	[sflag:s16] =	ssyncset.done $0x0  }
0xc8: {  	[sflag:s16] =	ssyncadd.s32 $0xFFFFE000  }
0xc9: {  	[spmem:s12] =	stream.linear.scatter [tilespmem:s18], [sflag:$0x3], $0x1E00, $0x38;
	[tilespmem:$0x16E00] =	vst v63  }
0xca: {  	_ =	swait.ge [sflag:s16], $0x1E00  }
0xcb: {  	[sflag:s16] =	ssyncset.done $0x0  }
0xcc: {  	[sflag:s16] =	ssyncadd.s32 $0xFFFFE200  }
0xcd: {  	s29 =	simm.s32 $0x0;
	[bflag:$0x0] =	sbarrier.arrive $0xFFFF  }
0xce: {  	[tilespmem:s18], [sflag:$0x1] =	stream.indirect.gather [hbm4b:s5+s19], $0x40, s29, s19, $0xb8;
	[tilespmem:$0x16E00] =	vst v63  }
0xcf: {  	s29 =	simm.s32 $0x80  }
0xd0: {  	[tilespmem:s20], [sflag:$0x1] =	stream.indirect.gather [hbm4b:s5+s19], $0x40, s29, s19, $0xb8;
	[tilespmem:$0x16E00] =	vst v63  }
0xd1: {  	s29 =	simm.s32 $0x100  }
0xd2: {  	[tilespmem:s21], [sflag:$0x1] =	stream.indirect.gather [hbm4b:s5+s19], $0x40, s29, s19, $0xb8;
	[tilespmem:$0x16E00] =	vst v63  }
0xd3: {  	s29 =	simm.s32 $0x180  }
0xd4: {  	[tilespmem:s22], [sflag:$0x1] =	stream.indirect.gather [hbm4b:s5+s19], $0x40, s29, s19, $0xb8;
	[tilespmem:$0x16E00] =	vst v63  }
0xd5: {  	_ =	swait.ge [sflag:s23], $0x2000  }
0xd6: {  	[sflag:s23] =	ssyncset.done $0x0  }
0xd7: {  	[sflag:s23] =	ssyncadd.s32 $0xFFFFE000  }
0xd8: {  	_ =	swait.ge [sflag:s23], $0x2000  }
0xd9: {  	[sflag:s23] =	ssyncset.done $0x0  }
0xda: {  	[sflag:s23] =	ssyncadd.s32 $0xFFFFE000  }
0xdb: {  	_ =	swait.ge [sflag:s23], $0x2000  }
0xdc: {  	[sflag:s23] =	ssyncset.done $0x0  }
0xdd: {  	[sflag:s23] =	ssyncadd.s32 $0xFFFFE000  }
0xde: {  	_ =	swait.ge [sflag:s23], $0x2000  }
0xdf: {  	[sflag:s23] =	ssyncset.done $0x0  }
0xe0: {  	s29 =	simm.s32 $0x2800;
	[sflag:s23] =	ssyncadd.s32 $0xFFFFE000  }
0xe1: {  	[spmem:s3] =	stream.indirect.scatter.add.f32 [tilespmem:s18], [sflag:$0x2], $0x40, s29, s19, $0xb8;
	[tilespmem:$0x16E00] =	vst v63  }
0xe2: {  	s29 =	simm.s32 $0x2880  }
0xe3: {  	[spmem:s3] =	stream.indirect.scatter.add.f32 [tilespmem:s20], [sflag:$0x2], $0x40, s29, s19, $0xb8;
	[tilespmem:$0x16E00] =	vst v63  }
0xe4: {  	s29 =	simm.s32 $0x2900  }
0xe5: {  	[spmem:s3] =	stream.indirect.scatter.add.f32 [tilespmem:s21], [sflag:$0x2], $0x40, s29, s19, $0xb8;
	[tilespmem:$0x16E00] =	vst v63  }
0xe6: {  	s29 =	simm.s32 $0x2980  }
0xe7: {  	[spmem:s3] =	stream.indirect.scatter.add.f32 [tilespmem:s22], [sflag:$0x2], $0x40, s29, s19, $0xb8;
	[tilespmem:$0x16E00] =	vst v63  }
0xe8: {  	_ =	swait.ge [sflag:s24], $0x2000  }
0xe9: {  	[sflag:s24] =	ssyncset.done $0x0  }
0xea: {  	[sflag:s24] =	ssyncadd.s32 $0xFFFFE000  }
0xeb: {  	_ =	swait.ge [sflag:s24], $0x2000  }
0xec: {  	[sflag:s24] =	ssyncset.done $0x0  }
0xed: {  	[sflag:s24] =	ssyncadd.s32 $0xFFFFE000  }
0xee: {  	_ =	swait.ge [sflag:s24], $0x2000  }
0xef: {  	[sflag:s24] =	ssyncset.done $0x0  }
0xf0: {  	[sflag:s24] =	ssyncadd.s32 $0xFFFFE000  }
0xf1: {  	_ =	swait.ge [sflag:s24], $0x2000  }
0xf2: {  	s31 =	simm.s32 $0x1000;
	s29 =	simm.s32 $0x800;
	[sflag:s24] =	ssyncset.done $0x0  }
.LBB2_8:
0xf3: {  	s0 =	sshra.s32 s29, $0x2  }
0xf4: {  	[sflag:s24] =	ssyncadd.s32 $0xFFFFE000;
	s29 =	smov.u32 s31;
	s30 =	sadd.s32 $0x800, s31  }
0xf5: {  	[tilespmem:s18], [sflag:$0x1] =	stream.indirect.gather [hbm4b:s5+s19], $0x40, s0, s19, $0xb8;
	[tilespmem:$0x16E00] =	vst v63  }
0xf6: {  	p0 =	sne.s32 s31, $0x9800;
	s31 =	sadd.s32 $0x80, s0  }
0xf7: {  	[tilespmem:s20], [sflag:$0x1] =	stream.indirect.gather [hbm4b:s5+s19], $0x40, s31, s19, $0xb8;
	[tilespmem:$0x16E00] =	vst v63  }
0xf8: {  	s31 =	sadd.s32 $0x100, s0  }
0xf9: {  	[tilespmem:s21], [sflag:$0x1] =	stream.indirect.gather [hbm4b:s5+s19], $0x40, s31, s19, $0xb8;
	[tilespmem:$0x16E00] =	vst v63  }
0xfa: {  	s31 =	sadd.s32 $0x180, s0  }
0xfb: {  	[tilespmem:s22], [sflag:$0x1] =	stream.indirect.gather [hbm4b:s5+s19], $0x40, s31, s19, $0xb8;
	[tilespmem:$0x16E00] =	vst v63  }
0xfc: {  	_ =	swait.ge [sflag:s23], $0x2000  }
0xfd: {  	[sflag:s23] =	ssyncset.done $0x0  }
0xfe: {  	[sflag:s23] =	ssyncadd.s32 $0xFFFFE000  }
0xff: {  	_ =	swait.ge [sflag:s23], $0x2000  }
0x100: {  	[sflag:s23] =	ssyncset.done $0x0  }
0x101: {  	[sflag:s23] =	ssyncadd.s32 $0xFFFFE000  }
0x102: {  	_ =	swait.ge [sflag:s23], $0x2000  }
0x103: {  	[sflag:s23] =	ssyncset.done $0x0  }
0x104: {  	[sflag:s23] =	ssyncadd.s32 $0xFFFFE000  }
0x105: {  	_ =	swait.ge [sflag:s23], $0x2000  }
0x106: {  	[sflag:s23] =	ssyncset.done $0x0  }
0x107: {  	s31 =	sadd.s32 $0x2800, s0;
	[sflag:s23] =	ssyncadd.s32 $0xFFFFE000  }
0x108: {  	[spmem:s3] =	stream.indirect.scatter.add.f32 [tilespmem:s18], [sflag:$0x2], $0x40, s31, s19, $0xb8;
	[tilespmem:$0x16E00] =	vst v63  }
0x109: {  	s31 =	sadd.s32 $0x2880, s0  }
0x10a: {  	[spmem:s3] =	stream.indirect.scatter.add.f32 [tilespmem:s20], [sflag:$0x2], $0x40, s31, s19, $0xb8;
	[tilespmem:$0x16E00] =	vst v63  }
0x10b: {  	s31 =	sadd.s32 $0x2900, s0  }
0x10c: {  	[spmem:s3] =	stream.indirect.scatter.add.f32 [tilespmem:s21], [sflag:$0x2], $0x40, s31, s19, $0xb8;
	[tilespmem:$0x16E00] =	vst v63  }
0x10d: {  	s0 =	sadd.s32 $0x2980, s0  }
0x10e: {  	[spmem:s3] =	stream.indirect.scatter.add.f32 [tilespmem:s22], [sflag:$0x2], $0x40, s0, s19, $0xb8;
	[tilespmem:$0x16E00] =	vst v63  }
0x10f: {  	_ =	swait.ge [sflag:s24], $0x2000  }
0x110: {  	[sflag:s24] =	ssyncset.done $0x0  }
0x111: {  	[sflag:s24] =	ssyncadd.s32 $0xFFFFE000  }
0x112: {  	_ =	swait.ge [sflag:s24], $0x2000  }
0x113: {  	[sflag:s24] =	ssyncset.done $0x0  }
0x114: {  	[sflag:s24] =	ssyncadd.s32 $0xFFFFE000  }
.Ltmp3:
0x115: {  	_ =	swait.ge [sflag:s24], $0x2000;
	(pc) =	sbr.rel @p0 .LBB2_8-.Ltmp3, $4  }
0x116: {  	[sflag:s24] =	ssyncset.done $0x0  }
0x117: {  	[sflag:s24] =	ssyncadd.s32 $0xFFFFE000  }
0x118: {  	_ =	swait.ge [sflag:s24], $0x2000  }
0x119: {  	s31 =	smov.u32 s30;
	[sflag:s24] =	ssyncset.done $0x0  }
0x11a: {  	s0 =	sshra.s32 s29, $0x2;
	[sflag:s24] =	ssyncadd.s32 $0xFFFFE000  }
0x11b: {  	[tilespmem:s18], [sflag:$0x1] =	stream.indirect.gather [hbm4b:s5+s19], $0x40, s0, s19, $0xb8;
	[tilespmem:$0x16E00] =	vst v63  }
0x11c: {  	s29 =	sadd.s32 $0x80, s0  }
0x11d: {  	[tilespmem:s20], [sflag:$0x1] =	stream.indirect.gather [hbm4b:s5+s19], $0x40, s29, s19, $0xb8;
	[tilespmem:$0x16E00] =	vst v63  }
0x11e: {  	s31 =	sadd.s32 $0x100, s0  }
0x11f: {  	[tilespmem:s21], [sflag:$0x1] =	stream.indirect.gather [hbm4b:s5+s19], $0x40, s31, s19, $0xb8;
	[tilespmem:$0x16E00] =	vst v63  }
0x120: {  	s30 =	sadd.s32 $0x180, s0  }
0x121: {  	[tilespmem:s22], [sflag:$0x1] =	stream.indirect.gather [hbm4b:s5+s19], $0x40, s30, s19, $0xb8;
	[tilespmem:$0x16E00] =	vst v63  }
0x122: {  	_ =	swait.ge [sflag:s23], $0x2000  }
0x123: {  	[sflag:s23] =	ssyncset.done $0x0  }
0x124: {  	[sflag:s23] =	ssyncadd.s32 $0xFFFFE000  }
0x125: {  	_ =	swait.ge [sflag:s23], $0x2000  }
0x126: {  	[sflag:s23] =	ssyncset.done $0x0  }
0x127: {  	[sflag:s23] =	ssyncadd.s32 $0xFFFFE000  }
0x128: {  	_ =	swait.ge [sflag:s23], $0x2000  }
0x129: {  	[sflag:s23] =	ssyncset.done $0x0  }
0x12a: {  	[sflag:s23] =	ssyncadd.s32 $0xFFFFE000  }
0x12b: {  	_ =	swait.ge [sflag:s23], $0x2000  }
0x12c: {  	[sflag:s23] =	ssyncset.done $0x0  }
0x12d: {  	s31 =	sadd.s32 $0x2800, s0;
	[sflag:s23] =	ssyncadd.s32 $0xFFFFE000  }
0x12e: {  	[spmem:s3] =	stream.indirect.scatter.add.f32 [tilespmem:s18], [sflag:$0x2], $0x40, s31, s19, $0xb8;
	[tilespmem:$0x16E00] =	vst v63  }
0x12f: {  	s30 =	sadd.s32 $0x2880, s0  }
0x130: {  	[spmem:s3] =	stream.indirect.scatter.add.f32 [tilespmem:s20], [sflag:$0x2], $0x40, s30, s19, $0xb8;
	[tilespmem:$0x16E00] =	vst v63  }
0x131: {  	s31 =	sadd.s32 $0x2900, s0  }
0x132: {  	[spmem:s3] =	stream.indirect.scatter.add.f32 [tilespmem:s21], [sflag:$0x2], $0x40, s31, s19, $0xb8;
	[tilespmem:$0x16E00] =	vst v63  }
0x133: {  	s0 =	sadd.s32 $0x2980, s0  }
0x134: {  	[spmem:s3] =	stream.indirect.scatter.add.f32 [tilespmem:s22], [sflag:$0x2], $0x40, s0, s19, $0xb8;
	[tilespmem:$0x16E00] =	vst v63  }
0x135: {  	_ =	swait.ge [sflag:s24], $0x2000  }
0x136: {  	[sflag:s24] =	ssyncset.done $0x0  }
0x137: {  	[sflag:s24] =	ssyncadd.s32 $0xFFFFE000  }
0x138: {  	_ =	swait.ge [sflag:s24], $0x2000  }
0x139: {  	[sflag:s24] =	ssyncset.done $0x0  }
0x13a: {  	[sflag:s24] =	ssyncadd.s32 $0xFFFFE000  }
0x13b: {  	_ =	swait.ge [sflag:s24], $0x2000  }
0x13c: {  	[sflag:s24] =	ssyncset.done $0x0  }
0x13d: {  	[sflag:s24] =	ssyncadd.s32 $0xFFFFE000  }
0x13e: {  	_ =	swait.ge [sflag:s24], $0x2000  }
0x13f: {  	s25 =	sadd.s32 $0x1, s25;
	[sflag:s24] =	ssyncset.done $0x0  }
0x140: {  	p0 =	sne.s32 s25, s15;
	[sflag:s24] =	ssyncadd.s32 $0xFFFFE000  }
.Ltmp4:
0x141: {  	[bflag:$0x0] =	sbarrier.arrive $0xFFFF;
	(pc) =	sbr.rel @p0 .LBB2_1-.Ltmp4, $4  }
0x142: {  	[hbm:s14], [sflag:s26] =	dma.local [spmem:s28], $0x13C0  }
0x143: {  	_ =	swait.ge [sflag:s16], $0x13C0  }
0x144: {  	[sflag:s16] =	ssyncset.done $0x0  }
0x145: {  	[sflag:s16] =	ssyncadd.s32 $0xFFFFEC40  }
0x146: {  	_ =	sfence.sel $0x180000  }
0x147: {  	[bflag:$0x0] =	sbarrier.arrive $0xFFFF  }
0x148: {  	_ =	strace $0x9000004A  }
0x149: {  	[bflag:$0x2] =	sbarrier.arrive $0xFFFF  }
0x14a: {  	p0 =	sne.s32 s2, $0x0;
	s0 =	rddreg [dreg:$0x3]  }
0x14b: {  	s0 =	sadd.s32 @!p0 $0x100000, s0  }
0x14c: {  	[sflag:s0] =	ssyncadd.tile.s32 @!p0 $0x1;
	_ =	shalt  }
.Lfunc_end2:
_tile_overlayer_lowered:
.L_overlay_start_2:
0x14d: {  	(tag) =	ssettag $0x2  }
0x14e: {  	s0 =	rddreg [dreg:$0x0];
	s2 =	stileid.u32  }
0x14f: {  	s1 =	rddreg [dreg:$0x1];
	p0 =	sne.s32 s2, $0x0  }
0x150: {  	s3 =	rddreg [dreg:$0x2];
	[bflag:$0x3] =	sbarrier.arrive $0xFFFF;
	s2 =	simm.s32 @!p0 $0x1C03  }
0x151: {  	[timem:s3], [sflag:s2] =	dma.local @!p0 [hbm:s0], s1  }
0x152: {  	s0 =	simm.s32 @!p0 $0x3  }
0x153: {  	_ =	swait.ge @!p0 [sflag:s0], s1  }
0x154: {  	s1 =	ssub.s32 @!p0 $0x0, s1;
	[sflag:s0] =	ssyncset.done @!p0 $0x0  }
0x155: {  	[sflag:s0] =	ssyncadd.s32 @!p0 s1  }
0x156: {  	[bflag:$0x3] =	sbarrier.arrive $0xFFFF  }
0x157: {  	_ =	shalt  }

// kernel: kernel.4.cloned.1.call-start
scs
__scs_entry_jumppad:
0x0: {  	(pc) =	sbr.rel $0x88, $3  }
0x1: {  	(tag) =	ssettag $0x0;
	lr =	simm.s32 $0x1  }
0x2: {  	[smem:$0x3F9B] =	sst lr;
	_ =	strace $0xD0000000  }
0x3: {  	_ = 	snop  }
0x4: {  	_ = 	snop  }
0x5: {  	_ = 	snop  }
0x6: {  	_ = 	snop  }
0x7: {  	_ = 	snop  }
__scs_overlays_trampoline_lowered:
0x8: {  	[smem:$0x3FAA] =	sst s0  }
0x9: {  	[smem:$0x3FAB] =	sst s1  }
0xa: {  	[smem:$0x3FAC] =	sst s2  }
0xb: {  	[smem:$0x3FAD] =	sst s3  }
0xc: {  	[smem:$0x3FAE] =	sst s4  }
0xd: {  	[smem:$0x3FAF] =	sst s5  }
0xe: {  	[smem:$0x3FB0] =	sst s6  }
0xf: {  	[smem:$0x3FB1] =	sst s7  }
0x10: {  	[smem:$0x3FB2] =	sst s8  }
0x11: {  	[smem:$0x3FB3] =	sst s9;
	s0 =	simm.s32 @!p0 $0x0  }
0x12: {  	s1 =	sld [smem:$0x3F99];
	s0 =	simm.s32 @p0 $0x1  }
0x13: {  	[smem:$0x3FB4] =	sst s0;
	s0 =	simm.s32 @!p1 $0x0  }
0x14: {  	s2 =	sld [smem:$0x3F98];
	s0 =	simm.s32 @p1 $0x1  }
0x15: {  	[smem:$0x3FB5] =	sst s0;
	s0 =	simm.s32 @!p2 $0x0  }
0x16: {  	s3 =	sld [smem:$0x3FDB];
	s0 =	simm.s32 @p2 $0x1  }
0x17: {  	s4 =	simm.s32 $0x1BF5;
	[smem:$0x3FB7] =	sst s0  }
0x18: {  	s0 =	sld [smem:$0x3F9A];
	_ =	swait.ge [sflag:s4], $0x0  }
0x19: {  	s7 =	sld [smem:$0x3F9B]  }
0x1a: {  	s8 =	sadd.s32 $0xFFFFE003, lr  }
0x1b: {  	s9 =	sadd.s32 $0xFFFFFEF7, lr;
	s5 =	simm.s32 $0xFFFFFFFF;
	p2 =	slt.u32 s8, $0xFFFFF086  }
0x1c: {  	p1 =	slt.u32 s9, $0xF7A;
	s5 =	simm.s32 @!p2 $0x0  }
0x1d: {  	s5 =	simm.s32 @p1 $0x1;
	p0 =	seq.s32 s7, s2  }
0x1e: {  	s7 =	smul.u32 @!p0 $0xF7A, s2;
	p2 =	seq.s32 @!p0 s5, $0x0  }
0x1f: {  	s9 =	smul.u32 $0xF7A, s1;
	s8 =	simm.s32 @!p0 $0x1BF5;
	p2 =	por !p2, p0  }
0x20: {  	[sflag:s8] =	ssyncset.s32 @!p0 $0xFFFFF086;
	s6 =	sadd.s32 @!p0 s3, s7;
	s7 =	simm.s32 @!p0 $0x108  }
0x21: {  	s3 =	sadd.s32 s3, s9;
	s6 =	sadd.s32 @!p0 $0x88, s6;
	s7 =	simm.s32 @p2 $0x1082  }
0x22: {  	[simem:s7], [sflag:s8] =	dma.local @!p0 [hbm:s6], $0xF7A  }
0x23: {  	s9 =	sor.u32 $0xD0000000, s2;
	s6 =	simm.s32 $0x108;
	_ =	swait.ge @!p0 [sflag:s8], $0x0  }
0x24: {  	s3 =	sadd.s32 $0x88, s3;
	s6 =	simm.s32 @!p1 $0x1082;
	[sflag:s4] =	ssyncset.s32 $0xFFFFF086  }
0x25: {  	[simem:s6], [sflag:s4] =	dma.local [hbm:s3], $0xF7A  }
0x26: {  	[smem:$0x3F9B] =	sst s1;
	(tag) =	ssettag s2;
	_ =	strace s9  }
0x27: {  	s1 =	sld [smem:$0x3FAB]  }
0x28: {  	s2 =	sld [smem:$0x3FAC]  }
0x29: {  	s4 =	sld [smem:$0x3FAE]  }
0x2a: {  	p0 =	seq.s32 s5, $0x0;
	s5 =	sld [smem:$0x3FAF]  }
0x2b: {  	s6 =	sld [smem:$0x3FB0]  }
0x2c: {  	s7 =	sld [smem:$0x3FB1]  }
0x2d: {  	s3 =	simm.s32 $0x108;
	s8 =	sld [smem:$0x3FB2]  }
0x2e: {  	s3 =	simm.s32 @!p0 $0x1082;
	s9 =	sld [smem:$0x3FB3]  }
0x2f: {  	lr =	sadd.s32 s0, s3;
	s0 =	sld [smem:$0x3FAA]  }
0x30: {  	s3 =	sld [smem:$0x3FAD]  }
0x31: {  	[smem:$0x3FB6] =	sst s10  }
0x32: {  	s10 =	sld [smem:$0x3FB4];
	_ =	sdelay $0x3  }
0x33: {  	p0 =	seq.s32 s10, $0x1;
	s10 =	sld [smem:$0x3FB6];
	_ =	sdelay $0x3  }
0x34: {  	[smem:$0x3FB6] =	sst s10  }
0x35: {  	s10 =	sld [smem:$0x3FB5];
	_ =	sdelay $0x3  }
0x36: {  	p1 =	seq.s32 s10, $0x1;
	s10 =	sld [smem:$0x3FB6];
	_ =	sdelay $0x3  }
0x37: {  	[smem:$0x3FB6] =	sst s10  }
0x38: {  	s10 =	sld [smem:$0x3FB7]  }
0x39: {  	_ = 	snop;
	(pc) =	sbr.ind lr, $3  }
0x3a: {  	_ = 	snop  }
0x3b: {  	_ = 	snop  }
0x3c: {  	p2 =	seq.s32 s10, $0x1;
	s10 =	sld [smem:$0x3FB6]  }
0x3d: {  	_ =	shalt  }
0x3e: {  	_ =	shalt  }
0x3f: {  	_ =	shalt  }
0x40: {  	_ =	shalt  }
0x41: {  	_ =	shalt  }
0x42: {  	_ =	shalt  }
0x43: {  	_ =	shalt  }
0x44: {  	_ =	shalt  }
0x45: {  	_ =	shalt  }
0x46: {  	_ =	shalt  }
0x47: {  	_ =	shalt  }
0x48: {  	_ =	shalt  }
0x49: {  	_ =	shalt  }
0x4a: {  	_ =	shalt  }
0x4b: {  	_ =	shalt  }
0x4c: {  	_ =	shalt  }
0x4d: {  	_ =	shalt  }
0x4e: {  	_ =	shalt  }
0x4f: {  	_ =	shalt  }
0x50: {  	_ =	shalt  }
0x51: {  	_ =	shalt  }
0x52: {  	_ =	shalt  }
0x53: {  	_ =	shalt  }
0x54: {  	_ =	shalt  }
0x55: {  	_ =	shalt  }
0x56: {  	_ =	shalt  }
0x57: {  	_ =	shalt  }
0x58: {  	_ =	shalt  }
0x59: {  	_ =	shalt  }
0x5a: {  	_ =	shalt  }
0x5b: {  	_ =	shalt  }
0x5c: {  	_ =	shalt  }
0x5d: {  	_ =	shalt  }
0x5e: {  	_ =	shalt  }
0x5f: {  	_ =	shalt  }
0x60: {  	_ =	shalt  }
0x61: {  	_ =	shalt  }
0x62: {  	_ =	shalt  }
0x63: {  	_ =	shalt  }
0x64: {  	_ =	shalt  }
0x65: {  	_ =	shalt  }
0x66: {  	_ =	shalt  }
0x67: {  	_ =	shalt  }
0x68: {  	_ =	shalt  }
0x69: {  	_ =	shalt  }
0x6a: {  	_ =	shalt  }
0x6b: {  	_ =	shalt  }
0x6c: {  	_ =	shalt  }
0x6d: {  	_ =	shalt  }
0x6e: {  	_ =	shalt  }
0x6f: {  	_ =	shalt  }
0x70: {  	_ =	shalt  }
0x71: {  	_ =	shalt  }
0x72: {  	_ =	shalt  }
0x73: {  	_ =	shalt  }
0x74: {  	_ =	shalt  }
0x75: {  	_ =	shalt  }
0x76: {  	_ =	shalt  }
0x77: {  	_ =	shalt  }
0x78: {  	_ =	shalt  }
0x79: {  	_ =	shalt  }
0x7a: {  	_ =	shalt  }
0x7b: {  	_ =	shalt  }
0x7c: {  	_ =	shalt  }
0x7d: {  	_ =	shalt  }
0x7e: {  	_ =	shalt  }
0x7f: {  	_ =	shalt  }
0x80: {  	_ =	shalt  }
0x81: {  	_ =	shalt  }
0x82: {  	_ =	shalt  }
0x83: {  	_ =	shalt  }
0x84: {  	_ =	shalt  }
0x85: {  	_ =	shalt  }
0x86: {  	_ =	shalt  }
0x87: {  	_ =	shalt  }
.Lfunc_end0:
.L_simem_size_0:
called_computation.1_lowered:
.L_overlay_start_0:
0x88: {  	s2 =	sld [smem:$0x3FD9]  }
0x89: {  	s3 =	sld [smem:$0x3FFE];
	_ =	sdelay $0x1  }
0x8a: {  	s1 =	srdreg.scid  }
0x8b: {  	s0 =	sand.u32 $0x1, s1  }
0x8c: {  	s17 =	sshll.u32 s0, $0xA;
	s2 =	sadd.s32 s3, s2  }
0x8d: {  	s2 =	sadd.s32 s2, s17  }
0x8e: {  	[smem:$0x3FC2] =	sst s2  }
0x8f: {  	_ = 	snop  }
0x90: {  	s2 =	sld [smem:$0x3FD0];
	(tm) =	ssettm $0x1  }
0x91: {  	s18 =	sld [smem:$0x3FFB];
	_ =	sdelay $0x3  }
0x92: {  	_ =	strace s18  }
0x93: {  	s3 =	sld [smem:$0x3FFC];
	_ =	sdelay $0x3  }
0x94: {  	_ =	strace s3  }
0x95: {  	s3 =	sld [smem:$0x3FFD];
	_ =	sdelay $0x3  }
0x96: {  	_ =	strace s3  }
0x97: {  	_ =	strace $0x8FFFFFFF  }
0x98: {  	s19 =	sld [smem:$0x3FDB];
	_ =	sdelay $0x1  }
0x99: {  	s4 =	simm.s32 $_scs_section_size  }
0x9a: {  	s5 =	simm.s32 $_size__tile_overlayer_lowered;
	s6 =	simm.s32 $_tile_overlayer_lowered  }
0x9b: {  	s22 =	simm.s32 $0x1BFF;
	s21 =	sshll.u32 s6, $0x1;
	s3 =	sadd.s32 s4, s19  }
0x9c: {  	s7 =	simm.s32 $0x0;
	s20 =	sshll.u32 s5, $0x1;
	s5 =	sadd.s32 s21, s3  }
0x9d: {  	[timem:s7], [sflag:s22] =	dma.local [hbm:s5], s20  }
0x9e: {  	_ =	swait.ge [sflag:s22], s20  }
0x9f: {  	s4 =	ssub.s32 $0x0, s20;
	[sflag:s22] =	ssyncset.done $0x0  }
0xa0: {  	[sflag:s22] =	ssyncadd.s32 s4;
	_ =	sdelay $0x1  }
0xa1: {  	s23 =	simm.s32 $0x1B8B  }
0xa2: {  	_ =	swait.ge [sflag:s23], $0x1  }
0xa3: {  	[sflag:s23] =	ssyncset.done $0x0  }
0xa4: {  	s25 =	simm.s32 $0x1B8E;
	s24 =	sld [smem:$0x3FFE];
	[sflag:s23] =	ssyncadd.s32 $0xFFFFFFFF  }
0xa5: {  	s26 =	simm.s32 $execute0_lowered;
	[smem:$0x3FD2] =	sst s25  }
0xa6: {  	s5 =	sshll.u32 s26, $0x1;
	_ =	strace $0x80000046;
	[dreg:$0x1] =	wrdreg $0xFFFFFFFF  }
0xa7: {  	s28 =	simm.s32 $_size_execute0_lowered;
	s3 =	sadd.s32 s3, s5;
	[dreg:$0x0] =	wrdreg $0x0  }
0xa8: {  	s5 =	sshll.u32 s28, $0x1;
	[dreg:$0x2] =	wrdreg s3  }
0xa9: {  	[dreg:$0x3] =	wrdreg s5  }
0xaa: {  	[dreg:$0x4] =	wrdreg $0xC0  }
0xab: {  	_ =	task [dreg:s7], $0x5FFFF  }
0xac: {  	[dreg:$0x1] =	wrdreg $0xFFFFFFFF  }
0xad: {  	[dreg:$0x0] =	wrdreg $0x60  }
0xae: {  	[dreg:$0x2] =	wrdreg s2  }
0xaf: {  	[dreg:$0x3] =	wrdreg s24  }
0xb0: {  	[dreg:$0x4] =	wrdreg $0x30000  }
0xb1: {  	[dreg:$0x5] =	wrdreg $0x9  }
0xb2: {  	_ =	task.clear_ibuf [dreg:s7], $0x6FFFF;
	_ =	strace $0x90000046  }
0xb3: {  	s29 =	simm.s32 $0x9;
	_ =	strace $0x80000048  }
0xb4: {  	_ =	swait.ge [sflag:s29], $0x1  }
0xb5: {  	[sflag:s29] =	ssyncadd.s32 $0xFFFFFFFF  }
0xb6: {  	_ =	strace $0x90000048  }
0xb7: {  	_ =	sfence  }
0xb8: {  	s30 =	sld [smem:$0x0];
	_ =	sdelay $0x2  }
0xb9: {  	s31 =	sshll.u32 s1, $0xD;
	s1 =	sshrl.u32 s1, $0x2  }
0xba: {  	s3 =	sand.u32 $0x4000, s31;
	s1 =	sadd.s32 s1, s30  }
0xbb: {  	s0 =	sor.u32 s3, s0;
	s1 =	sshll.u32 s1, $0x11  }
0xbc: {  	s0 =	sor.u32 s1, s0  }
0xbd: {  	s0 =	sadd.s32 $0x8F2B, s0  }
0xbe: {  	[sflag:s0] =	ssyncadd.remote.s32 $0x1  }
0xbf: {  	_ =	sfence.sel $0xFFFF  }
0xc0: {  	[dreg:$0x0] =	wrdreg $0xFFFFFFFF;
	(pc) =	sbr.abs _section_cstart, $3  }
0xc1: {  	[dreg:$0x1] =	wrdreg $0xFFFFFFFF  }
0xc2: {  	_ =	task.clear_ibuf [dreg:s7], $0x2FFFF;
	_ =	strace $0x9FFFFFFF  }
0xc3: {  	(tm) =	ssettm $0x7FFFFFFF  }
tec
execute0_lowered:
.L_overlay_start_1:
0x0: {  	(tag) =	ssettag $0x1  }
0x1: {  	s4 =	rddreg [dreg:$0x0]  }
0x2: {  	s5 =	rddreg [dreg:$0x1]  }
0x3: {  	s2 =	rddreg [dreg:$0x2]  }
0x4: {  	s0 =	rddreg [dreg:$0x3]  }
0x5: {  	s6 =	srdreg.scid;
	s1 =	stileid.u32;
	s3 =	simm.s32 $0x0  }
0x6: {  	s13 =	simm.s32 $0x2800;
	s14 =	simm.s32 $0x80;
	s15 =	simm.s32 $0x1  }
0x7: {  	s18 =	simm.s32 $0x0;
	s6 =	sand.u32 $0x1, s6;
	s7 =	smul.u32 $0x2780, s1  }
0x8: {  	[smem:$0x7FF] =	sst s3;
	s9 =	sshll.u32 s1, $0x1;
	s10 =	smul.u32 $0x9E00, s1  }
0x9: {  	s16 =	sshll.u32 s1, $0x6;
	s8 =	smul.u32 $0x27800, s6;
	_ =	strace $0x80000047  }
0xa: {  	s9 =	sor.u32 s6, s9;
	s6 =	ssub.s32 $0x2, s6;
	s16 =	sor.u32 $0x1C02, s16  }
0xb: {  	s9 =	smul.u32 $0x500, s9;
	s29 =	sshrl.u32 s6, $0x1;
	s30 =	sshrl.u32 s10, $0x2  }
0xc: {  	s8 =	sadd.s32 s7, s8;
	s12 =	ssub.s32 s6, s29;
	s31 =	sadd.s32 s30, s2  }
0xd: {  	s8 =	sshrl.u32 s8, $0x3;
	s4 =	sadd.s32 s4, s9;
	s6 =	sadd.s32 $0x800, s31  }
0xe: {  	s9 =	sadd.s32 $0x2000, s31;
	s11 =	sadd.s32 s8, s5;
	s5 =	sadd.s32 s7, s2  }
0xf: {  	v0 =	vimm.f32 $0.0e+00;
	vm0 =	vcmask $0x300;
	s7 =	sadd.s32 $0x1000, s31;
	s8 =	sadd.s32 $0x1800, s31;
	s10 =	sadd.s32 $0x2200, s11  }
0x10: {  	v1 =	vsel vm0, $0x3F800000, v0;
	s11 =	smax.u32 s12, $0x1;
	s12 =	simm.s32 $0x2;
	s17 =	sshrl.u32 s5, $0x3  }
.LBB2_1:
0x11: {  	[tilespmem:s3], [sflag:$0x2] =	stream.linear.gather [hbm4b:s4+s3], $0x2800, $0x38;
	[tilespmem:$0x5780] =	vst v63  }
0x12: {  	_ =	swait.ge [sflag:s12], $0x2800  }
0x13: {  	[sflag:s12] =	ssyncset.done $0x0  }
0x14: {  	s19 =	simm.s32 $0x40;
	s20 =	simm.s32 $0x0;
	[sflag:s12] =	ssyncadd.s32 $0xFFFFD800  }
.LBB2_2:
0x15: {  	p0 =	sne.s32 s19, $0x1FC0;
	[tilespmem:s20+$0x2800] =	vst v0;
	s20 =	smov.u32 s19;
	s19 =	sadd.s32 $0x40, s19  }
.Ltmp0:
0x16: {  	(pc) =	sbr.rel @p0 .LBB2_2-.Ltmp0, $2  }
0x17: {  	_ =	sdelay $0x2  }
0x18: {  	s20 =	sshra.s32 s20, $0x2  }
0x19: {  	[tilespmem:s20+$0x2800] =	vst v0  }
0x1a: {  	[spmem:s5] =	stream.linear.scatter [tilespmem:s13], [sflag:$0x2], $0x800, $0x38;
	[tilespmem:$0x5780] =	vst v63  }
0x1b: {  	_ =	swait.ge [sflag:s12], $0x800  }
0x1c: {  	[sflag:s12] =	ssyncset.done $0x0  }
0x1d: {  	[sflag:s12] =	ssyncadd.s32 $0xFFFFF800  }
0x1e: {  	[spmem:s6] =	stream.linear.scatter [tilespmem:s13], [sflag:$0x2], $0x800, $0x38;
	[tilespmem:$0x5780] =	vst v63  }
0x1f: {  	_ =	swait.ge [sflag:s12], $0x800  }
0x20: {  	[sflag:s12] =	ssyncset.done $0x0  }
0x21: {  	[sflag:s12] =	ssyncadd.s32 $0xFFFFF800  }
0x22: {  	[spmem:s7] =	stream.linear.scatter [tilespmem:s13], [sflag:$0x2], $0x800, $0x38;
	[tilespmem:$0x5780] =	vst v63  }
0x23: {  	_ =	swait.ge [sflag:s12], $0x800  }
0x24: {  	[sflag:s12] =	ssyncset.done $0x0  }
0x25: {  	[sflag:s12] =	ssyncadd.s32 $0xFFFFF800  }
0x26: {  	[spmem:s8] =	stream.linear.scatter [tilespmem:s13], [sflag:$0x2], $0x800, $0x38;
	[tilespmem:$0x5780] =	vst v63  }
0x27: {  	_ =	swait.ge [sflag:s12], $0x800  }
0x28: {  	[sflag:s12] =	ssyncset.done $0x0  }
0x29: {  	[sflag:s12] =	ssyncadd.s32 $0xFFFFF800  }
0x2a: {  	[spmem:s9] =	stream.linear.scatter [tilespmem:s13], [sflag:$0x2], $0x780, $0x38;
	[tilespmem:$0x5780] =	vst v63  }
0x2b: {  	_ =	swait.ge [sflag:s12], $0x780  }
0x2c: {  	[sflag:s12] =	ssyncset.done $0x0  }
0x2d: {  	s19 =	simm.s32 $0x40;
	s20 =	simm.s32 $0x0;
	[sflag:s12] =	ssyncadd.s32 $0xFFFFF880  }
.LBB2_4:
0x2e: {  	p0 =	sne.s32 s19, $0x1FC0;
	[tilespmem:s20+$0x2800] =	vst v1;
	s20 =	smov.u32 s19;
	s19 =	sadd.s32 $0x40, s19  }
.Ltmp1:
0x2f: {  	(pc) =	sbr.rel @p0 .LBB2_4-.Ltmp1, $2  }
0x30: {  	_ =	sdelay $0x2  }
0x31: {  	s20 =	sshra.s32 s20, $0x2  }
0x32: {  	[tilespmem:s20+$0x2800] =	vst v1  }
0x33: {  	s19 =	simm.s32 $0x0;
	[bflag:$0x0] =	sbarrier.arrive $0xFFFF  }
0x34: {  	[spmem:s2] =	stream.indirect.scatter.add.f32 [tilespmem:s13], [sflag:$0x1], $0x10, s19, s14, $0xb8;
	[tilespmem:$0x5780] =	vst v63  }
0x35: {  	s29 =	simm.s32 $0x80  }
0x36: {  	[spmem:s2] =	stream.indirect.scatter.add.f32 [tilespmem:s13], [sflag:$0x1], $0x10, s29, s14, $0xb8;
	[tilespmem:$0x5780] =	vst v63  }
0x37: {  	s30 =	simm.s32 $0x100  }
0x38: {  	[spmem:s2] =	stream.indirect.scatter.add.f32 [tilespmem:s13], [sflag:$0x1], $0x10, s30, s14, $0xb8;
	[tilespmem:$0x5780] =	vst v63  }
0x39: {  	s31 =	simm.s32 $0x180  }
0x3a: {  	[spmem:s2] =	stream.indirect.scatter.add.f32 [tilespmem:s13], [sflag:$0x1], $0x10, s31, s14, $0xb8;
	[tilespmem:$0x5780] =	vst v63  }
0x3b: {  	_ =	swait.ge [sflag:s15], $0x800  }
0x3c: {  	[sflag:s15] =	ssyncset.done $0x0  }
0x3d: {  	[sflag:s15] =	ssyncadd.s32 $0xFFFFF800  }
0x3e: {  	_ =	swait.ge [sflag:s15], $0x800  }
0x3f: {  	[sflag:s15] =	ssyncset.done $0x0  }
0x40: {  	[sflag:s15] =	ssyncadd.s32 $0xFFFFF800  }
0x41: {  	_ =	swait.ge [sflag:s15], $0x800  }
0x42: {  	[sflag:s15] =	ssyncset.done $0x0  }
0x43: {  	[sflag:s15] =	ssyncadd.s32 $0xFFFFF800  }
0x44: {  	_ =	swait.ge [sflag:s15], $0x800  }
0x45: {  	s20 =	simm.s32 $0x1000;
	s19 =	simm.s32 $0x800;
	[sflag:s15] =	ssyncset.done $0x0  }
.LBB2_6:
0x46: {  	s21 =	sshra.s32 s19, $0x2  }
0x47: {  	[sflag:s15] =	ssyncadd.s32 $0xFFFFF800;
	s19 =	smov.u32 s20;
	s22 =	sadd.s32 $0x800, s20  }
0x48: {  	[spmem:s2] =	stream.indirect.scatter.add.f32 [tilespmem:s13], [sflag:$0x1], $0x10, s21, s14, $0xb8;
	[tilespmem:$0x5780] =	vst v63  }
0x49: {  	p0 =	sne.s32 s20, $0x9800;
	s20 =	sadd.s32 $0x80, s21  }
0x4a: {  	[spmem:s2] =	stream.indirect.scatter.add.f32 [tilespmem:s13], [sflag:$0x1], $0x10, s20, s14, $0xb8;
	[tilespmem:$0x5780] =	vst v63  }
0x4b: {  	s20 =	sadd.s32 $0x100, s21  }
0x4c: {  	[spmem:s2] =	stream.indirect.scatter.add.f32 [tilespmem:s13], [sflag:$0x1], $0x10, s20, s14, $0xb8;
	[tilespmem:$0x5780] =	vst v63  }
0x4d: {  	s20 =	sadd.s32 $0x180, s21  }
0x4e: {  	[spmem:s2] =	stream.indirect.scatter.add.f32 [tilespmem:s13], [sflag:$0x1], $0x10, s20, s14, $0xb8;
	[tilespmem:$0x5780] =	vst v63  }
0x4f: {  	_ =	swait.ge [sflag:s15], $0x800  }
0x50: {  	[sflag:s15] =	ssyncset.done $0x0  }
0x51: {  	[sflag:s15] =	ssyncadd.s32 $0xFFFFF800  }
0x52: {  	_ =	swait.ge [sflag:s15], $0x800  }
0x53: {  	[sflag:s15] =	ssyncset.done $0x0  }
0x54: {  	[sflag:s15] =	ssyncadd.s32 $0xFFFFF800  }
.Ltmp2:
0x55: {  	_ =	swait.ge [sflag:s15], $0x800;
	(pc) =	sbr.rel @p0 .LBB2_6-.Ltmp2, $4  }
0x56: {  	[sflag:s15] =	ssyncset.done $0x0  }
0x57: {  	[sflag:s15] =	ssyncadd.s32 $0xFFFFF800  }
0x58: {  	_ =	swait.ge [sflag:s15], $0x800  }
0x59: {  	s20 =	smov.u32 s22;
	[sflag:s15] =	ssyncset.done $0x0  }
0x5a: {  	s19 =	sshra.s32 s19, $0x2;
	[sflag:s15] =	ssyncadd.s32 $0xFFFFF800  }
0x5b: {  	[spmem:s2] =	stream.indirect.scatter.add.f32 [tilespmem:s13], [sflag:$0x1], $0x10, s19, s14, $0xb8;
	[tilespmem:$0x5780] =	vst v63  }
0x5c: {  	s20 =	sadd.s32 $0x80, s19  }
0x5d: {  	[spmem:s2] =	stream.indirect.scatter.add.f32 [tilespmem:s13], [sflag:$0x1], $0x10, s20, s14, $0xb8;
	[tilespmem:$0x5780] =	vst v63  }
0x5e: {  	s31 =	sadd.s32 $0x100, s19  }
0x5f: {  	[spmem:s2] =	stream.indirect.scatter.add.f32 [tilespmem:s13], [sflag:$0x1], $0x10, s31, s14, $0xb8;
	[tilespmem:$0x5780] =	vst v63  }
0x60: {  	s19 =	sadd.s32 $0x180, s19  }
0x61: {  	[spmem:s2] =	stream.indirect.scatter.add.f32 [tilespmem:s13], [sflag:$0x1], $0x10, s19, s14, $0xb8;
	[tilespmem:$0x5780] =	vst v63  }
0x62: {  	_ =	swait.ge [sflag:s15], $0x800  }
0x63: {  	[sflag:s15] =	ssyncset.done $0x0  }
0x64: {  	[sflag:s15] =	ssyncadd.s32 $0xFFFFF800  }
0x65: {  	_ =	swait.ge [sflag:s15], $0x800  }
0x66: {  	[sflag:s15] =	ssyncset.done $0x0  }
0x67: {  	[sflag:s15] =	ssyncadd.s32 $0xFFFFF800  }
0x68: {  	_ =	swait.ge [sflag:s15], $0x800  }
0x69: {  	[sflag:s15] =	ssyncset.done $0x0  }
0x6a: {  	[sflag:s15] =	ssyncadd.s32 $0xFFFFF800  }
0x6b: {  	_ =	swait.ge [sflag:s15], $0x800  }
0x6c: {  	s18 =	sadd.s32 $0x1, s18;
	[sflag:s15] =	ssyncset.done $0x0  }
0x6d: {  	p0 =	sne.s32 s18, s11;
	[sflag:s15] =	ssyncadd.s32 $0xFFFFF800  }
.Ltmp3:
0x6e: {  	[bflag:$0x0] =	sbarrier.arrive $0xFFFF;
	(pc) =	sbr.rel @p0 .LBB2_1-.Ltmp3, $4  }
0x6f: {  	[hbm:s10], [sflag:s16] =	dma.local [spmem:s17], $0x4F0  }
0x70: {  	_ =	swait.ge [sflag:s12], $0x4F0  }
0x71: {  	[sflag:s12] =	ssyncset.done $0x0  }
0x72: {  	[sflag:s12] =	ssyncadd.s32 $0xFFFFFB10  }
0x73: {  	_ =	sfence.sel $0x180000  }
0x74: {  	[bflag:$0x0] =	sbarrier.arrive $0xFFFF  }
0x75: {  	p0 =	sne.s32 s1, $0x0;
	_ =	strace $0x90000047  }
0x76: {  	s0 =	sadd.s32 @!p0 $0x100000, s0;
	[bflag:$0x2] =	sbarrier.arrive $0xFFFF  }
0x77: {  	[sflag:s0] =	ssyncadd.tile.s32 @!p0 $0x1;
	_ =	shalt  }
.Lfunc_end2:
_tile_overlayer_lowered:
.L_overlay_start_2:
0x78: {  	(tag) =	ssettag $0x2  }
0x79: {  	s0 =	rddreg [dreg:$0x0];
	s2 =	stileid.u32  }
0x7a: {  	s1 =	rddreg [dreg:$0x1];
	p0 =	sne.s32 s2, $0x0  }
0x7b: {  	s3 =	rddreg [dreg:$0x2];
	[bflag:$0x3] =	sbarrier.arrive $0xFFFF;
	s2 =	simm.s32 @!p0 $0x1C02  }
0x7c: {  	[timem:s3], [sflag:s2] =	dma.local @!p0 [hbm:s0], s1  }
0x7d: {  	s0 =	simm.s32 @!p0 $0x2  }
0x7e: {  	_ =	swait.ge @!p0 [sflag:s0], s1  }
0x7f: {  	s1 =	ssub.s32 @!p0 $0x0, s1;
	[sflag:s0] =	ssyncset.done @!p0 $0x0  }
0x80: {  	[sflag:s0] =	ssyncadd.s32 @!p0 s1  }
0x81: {  	[bflag:$0x3] =	sbarrier.arrive $0xFFFF  }
0x82: {  	_ =	shalt  }

</sc_bundles>
